<compile_context>
chip_gen: v7x
topology: tpu7x:2x2x1
jax: 0.10.2.dev20260603
libtpu: 0.0.44.dev20260713+nightly
codegen_flags: <defaults>
</compile_context>

<pallas_src>
import jax
import jax.numpy as jnp
from jax import lax
from jax.experimental import pallas as pl
from jax.experimental.pallas import tpu as pltpu
from jax.experimental.pallas import tpu_sc as plsc

N = 10000
E = 320000
H = 128
NC = 2
NS = 16
NW = NC * NS
EPW = E // NW
CH = 128
NFC = EPW // CH
TCH = EPW - NFC * CH
NPAIR = NFC // 2
NP = 10240
RPT = NP // NS

_MESH = plsc.VectorSubcoreMesh(
    core_axis_name="c", subcore_axis_name="s", num_cores=NC, num_subcores=NS)


def _scat_body(y_hbm, src_hbm, dst_hbm, zeros_hbm, out_hbm,
               srcA, dstA, srcB, dstB, srcT, dstT, rowsA, rowsB, rowsT,
               acc_sh, siA, siB, sgA, sgB):
    c = lax.axis_index("c")
    s = lax.axis_index("s")
    wid = s * NC + c
    e0 = wid * EPW

    def fetch_idx(j, src_v, dst_v, sem, n=CH):
        pltpu.async_copy(src_hbm.at[pl.ds(e0 + j * CH, n)], src_v, sem)
        pltpu.async_copy(dst_hbm.at[pl.ds(e0 + j * CH, n)], dst_v, sem)

    def wait_idx(j, src_v, dst_v, sem, n=CH):
        pltpu.make_async_copy(src_hbm.at[pl.ds(e0 + j * CH, n)], src_v,
                              sem).wait()
        pltpu.make_async_copy(dst_hbm.at[pl.ds(e0 + j * CH, n)], dst_v,
                              sem).wait()

    fetch_idx(0, srcA, dstA, siA)
    pltpu.sync_copy(zeros_hbm, acc_sh.at[pl.ds(s * RPT, RPT)])
    plsc.subcore_barrier()

    def body(jj, carry):
        a = 2 * jj
        wait_idx(a, srcA, dstA, siA)
        ga = pltpu.async_copy(y_hbm.at[srcA], rowsA, sgA)

        @pl.when(jj > 0)
        def _():
            pltpu.make_async_copy(y_hbm.at[srcB], rowsB, sgB).wait()
            pltpu.sync_copy(rowsB, acc_sh.at[dstB], add=True)

        fetch_idx(a + 1, srcB, dstB, siB)
        wait_idx(a + 1, srcB, dstB, siB)
        pltpu.async_copy(y_hbm.at[srcB], rowsB, sgB)
        ga.wait()
        pltpu.sync_copy(rowsA, acc_sh.at[dstA], add=True)

        @pl.when(jj + 1 < NPAIR)
        def _():
            fetch_idx(a + 2, srcA, dstA, siA)

        return carry

    lax.fori_loop(0, NPAIR, body, 0)
    fetch_idx(NFC, srcT, dstT, siA, n=TCH)
    pltpu.make_async_copy(y_hbm.at[srcB], rowsB, sgB).wait()
    pltpu.sync_copy(rowsB, acc_sh.at[dstB], add=True)
    wait_idx(NFC, srcT, dstT, siA, n=TCH)
    pltpu.async_copy(y_hbm.at[srcT], rowsT, sgA).wait()
    pltpu.sync_copy(rowsT, acc_sh.at[dstT], add=True)

    plsc.subcore_barrier()
    pltpu.sync_copy(acc_sh.at[pl.ds(s * RPT, RPT)],
                    out_hbm.at[c, pl.ds(s * RPT, RPT)])


_scat_call = pl.kernel(
    _scat_body,
    out_type=jax.ShapeDtypeStruct((NC, NP, H), jnp.float32),
    mesh=_MESH,
    scratch_types=[
        pltpu.VMEM((CH,), jnp.int32),
        pltpu.VMEM((CH,), jnp.int32),
        pltpu.VMEM((CH,), jnp.int32),
        pltpu.VMEM((CH,), jnp.int32),
        pltpu.VMEM((TCH,), jnp.int32),
        pltpu.VMEM((TCH,), jnp.int32),
        pltpu.VMEM((CH, H), jnp.float32),
        pltpu.VMEM((CH, H), jnp.float32),
        pltpu.VMEM((TCH, H), jnp.float32),
        pltpu.VMEM_SHARED((NP, H), jnp.float32),
        pltpu.SemaphoreType.DMA,
        pltpu.SemaphoreType.DMA,
        pltpu.SemaphoreType.DMA,
        pltpu.SemaphoreType.DMA,
    ],
)


def _deg_body(dst_hbm, ones_hbm, zeros_hbm, out_hbm,
              dstA, dstB, dstT, ones_v, acc_sh, siA, siB):
    c = lax.axis_index("c")
    s = lax.axis_index("s")
    wid = s * NC + c
    e0 = wid * EPW

    def fetch(j, dst_v, sem, n=CH):
        pltpu.async_copy(dst_hbm.at[pl.ds(e0 + j * CH, n)], dst_v, sem)

    def wait(j, dst_v, sem, n=CH):
        pltpu.make_async_copy(dst_hbm.at[pl.ds(e0 + j * CH, n)], dst_v,
                              sem).wait()

    fetch(0, dstA, siA)
    pltpu.sync_copy(ones_hbm, ones_v)
    pltpu.sync_copy(zeros_hbm, acc_sh.at[pl.ds(s * RPT, RPT)])
    plsc.subcore_barrier()

    def body(jj, carry):
        a = 2 * jj
        wait(a, dstA, siA)
        fetch(a + 1, dstB, siB)
        pltpu.sync_copy(ones_v, acc_sh.at[dstA], add=True)
        wait(a + 1, dstB, siB)

        @pl.when(jj + 1 < NPAIR)
        def _():
            fetch(a + 2, dstA, siA)

        pltpu.sync_copy(ones_v, acc_sh.at[dstB], add=True)
        return carry

    lax.fori_loop(0, NPAIR, body, 0)
    fetch(NFC, dstT, siA, n=TCH)
    wait(NFC, dstT, siA, n=TCH)
    pltpu.sync_copy(ones_v.at[pl.ds(0, TCH)], acc_sh.at[dstT], add=True)

    plsc.subcore_barrier()
    pltpu.sync_copy(acc_sh.at[pl.ds(s * RPT, RPT)],
                    out_hbm.at[c, pl.ds(s * RPT, RPT)])


_deg_call = pl.kernel(
    _deg_body,
    out_type=jax.ShapeDtypeStruct((NC, NP, H), jnp.float32),
    mesh=_MESH,
    scratch_types=[
        pltpu.VMEM((CH,), jnp.int32),
        pltpu.VMEM((CH,), jnp.int32),
        pltpu.VMEM((TCH,), jnp.int32),
        pltpu.VMEM((CH, H), jnp.float32),
        pltpu.VMEM_SHARED((NP, H), jnp.float32),
        pltpu.SemaphoreType.DMA,
        pltpu.SemaphoreType.DMA,
    ],
)


def _pre_body(x_ref, w_ref, degp_ref, y_ref, dinv_ref):
    deg = 1.0 + degp_ref[0, 0:N, 0:1] + degp_ref[1, 0:N, 0:1]
    dinv = lax.rsqrt(deg)
    dinv_ref[...] = dinv
    y_ref[...] = dinv * jnp.dot(x_ref[...], w_ref[...],
                                preferred_element_type=jnp.float32)


_pre_call = pl.pallas_call(
    _pre_body,
    out_shape=[
        jax.ShapeDtypeStruct((N, H), jnp.float32),
        jax.ShapeDtypeStruct((N, 1), jnp.float32),
    ],
)


def _bn_relu(y_ref, p_ref, dinv_ref, b_ref, g_ref, be_ref):
    dinv = dinv_ref[...]
    z = dinv * (y_ref[...] + p_ref[0, 0:N, :] + p_ref[1, 0:N, :]) + b_ref[...]
    z = jnp.maximum(z, 0.0)
    mu = jnp.mean(z, axis=0, keepdims=True)
    zc = z - mu
    var = jnp.mean(zc * zc, axis=0, keepdims=True)
    return zc * lax.rsqrt(var + 1e-5) * g_ref[...] + be_ref[...]


def _mid_body(y_ref, p_ref, dinv_ref, b_ref, g_ref, be_ref, w_ref, out_ref):
    zn = _bn_relu(y_ref, p_ref, dinv_ref, b_ref, g_ref, be_ref)
    out_ref[...] = dinv_ref[...] * jnp.dot(zn, w_ref[...],
                                           preferred_element_type=jnp.float32)


_mid_call = pl.pallas_call(
    _mid_body,
    out_shape=jax.ShapeDtypeStruct((N, H), jnp.float32),
)


def _post_body(y_ref, p_ref, dinv_ref, b_ref, g_ref, be_ref, out_ref):
    out_ref[...] = _bn_relu(y_ref, p_ref, dinv_ref, b_ref, g_ref, be_ref)


_post_call = pl.pallas_call(
    _post_body,
    out_shape=jax.ShapeDtypeStruct((N, H), jnp.float32),
)


@jax.jit
def kernel(x, edge_index, W1, b1, gamma1, beta1, W2, b2, gamma2, beta2,
           W3, b3, gamma3, beta3):
    src = edge_index[0].astype(jnp.int32)
    dst = edge_index[1].astype(jnp.int32)
    zrows = jnp.zeros((RPT, H), jnp.float32)
    ones_ch = jnp.ones((CH, H), jnp.float32)

    degp = _deg_call(dst, ones_ch, zrows)
    y1, dinv = _pre_call(x, W1, degp)

    def row(v):
        return v.reshape(1, H)

    p1 = _scat_call(y1, src, dst, zrows)
    y2 = _mid_call(y1, p1, dinv, row(b1), row(gamma1), row(beta1), W2)
    p2 = _scat_call(y2, src, dst, zrows)
    y3 = _mid_call(y2, p2, dinv, row(b2), row(gamma2), row(beta2), W3)
    p3 = _scat_call(y3, src, dst, zrows)
    return _post_call(y3, p3, dinv, row(b3), row(gamma3), row(beta3))

# --- scband reference (transcript-rebuilt; emitter-appended) ---
"""Pipeline reference for scband-gcnencoder-31774168056042 (READ-ONLY COPY).

The authoritative reference and input builder live on the scoring server;
editing this copy changes nothing except your own understanding.
"""

import jax, jax.numpy as jnp
import numpy as np

N = 10000
E = 320000
D = 128
H = 128


def setup_inputs(seed: int = 0) -> dict:
    key = jax.random.key(seed)
    kx, ke = jax.random.split(key, 2)
    inp = {
        "x": jax.random.normal(kx, (N, D), dtype=jnp.float32),
        "edge_index": jax.random.randint(ke, (2, E), 0, N),
    }
    dims = [(D, H), (H, H), (H, H)]
    for i, (din, dout) in enumerate(dims, start=1):
        kW = jax.random.fold_in(key, 10 + i)
        inp[f"W{i}"] = jax.random.normal(kW, (din, dout), dtype=jnp.float32) * (1.0 / np.sqrt(din))
        inp[f"b{i}"] = jnp.zeros((dout,), dtype=jnp.float32)
        inp[f"gamma{i}"] = jnp.ones((dout,), dtype=jnp.float32)
        inp[f"beta{i}"] = jnp.zeros((dout,), dtype=jnp.float32)
    return inp


def gcn_conv(x, edge_index, W, b):
    # PyG-style GCNConv: add self-loops, symmetric normalization, linear transform,
    # scatter-add aggregation at destination nodes, then bias.
    num_nodes = x.shape[0]
    xw = x @ W
    src = edge_index[0]
    dst = edge_index[1]
    loop = jnp.arange(num_nodes, dtype=src.dtype)
    src2 = jnp.concatenate([src, loop])
    dst2 = jnp.concatenate([dst, loop])
    deg = jnp.zeros((num_nodes,), dtype=xw.dtype).at[dst2].add(1.0)
    dinv = jnp.where(deg > 0, 1.0 / jnp.sqrt(deg), 0.0)
    norm = dinv[src2] * dinv[dst2]
    msgs = norm[:, None] * jnp.take(xw, src2, axis=0)
    out = jnp.zeros_like(xw).at[dst2].add(msgs)
    return out + b


def batchnorm1d(z, gamma, beta, eps=1e-5):
    # BatchNorm1d with batch statistics (training-mode math, deterministic).
    mean = jnp.mean(z, axis=0)
    var = jnp.var(z, axis=0)
    return (z - mean) / jnp.sqrt(var + eps) * gamma + beta


def reference(x, edge_index, W1, b1, gamma1, beta1, W2, b2, gamma2, beta2, W3, b3, gamma3, beta3):
    z = x
    params = [(W1, b1, gamma1, beta1), (W2, b2, gamma2, beta2), (W3, b3, gamma3, beta3)]
    for (W, b, g, be) in params:
        z = gcn_conv(z, edge_index, W, b)
        z = jax.nn.relu(z)
        z = batchnorm1d(z, g, be)
        # Dropout is identity in eval mode.
    return z

if __name__ == "__main__":
    import jax
    _d = setup_inputs()
    print(jax.jit(kernel)(*tuple(_d.values())))

</pallas_src>

<mosaic_0001>
#map = affine_map<(d0, d1) -> (0)>
#map1 = affine_map<(d0, d1) -> (0, 0)>
#map2 = affine_map<(d0, d1) -> (0, 0, 0)>
module attributes {stable_mosaic.version = 14 : i64} {
  func.func @_deg_body(%arg0: i32, %arg1: i32, %arg2: memref<320000xi32, #tpu.memory_space<hbm>>, %arg3: memref<128x128xf32, #tpu.memory_space<hbm>>, %arg4: memref<640x128xf32, #tpu.memory_space<hbm>>, %arg5: memref<2x10240x128xf32, #tpu.memory_space<hbm>>, %arg6: memref<128xi32, #tpu.memory_space<vmem>>, %arg7: memref<128xi32, #tpu.memory_space<vmem>>, %arg8: memref<16xi32, #tpu.memory_space<vmem>>, %arg9: memref<128x128xf32, #tpu.memory_space<vmem>>, %arg10: memref<10240x128xf32, #tpu.memory_space<vmem_shared>>, %arg11: memref<!tpu.dma_semaphore, #tpu.memory_space<semaphore_mem>>, %arg12: memref<!tpu.dma_semaphore, #tpu.memory_space<semaphore_mem>>) attributes {dimension_semantics = [#tpu.dimension_semantics<core_parallel>, #tpu.dimension_semantics<subcore_parallel>], iteration_bounds = array<i64: 2, 16>, scalar_prefetch = 0 : i64, scratch_operands = 7 : i64, tpu.core_type = #tpu.core_type<sc_vector_subcore>, window_params = [{transform_indices = #map}, {transform_indices = #map1}, {transform_indices = #map1}, {transform_indices = #map2}]} {
    %mul3A = arith.constant 2 : i32
    %mul3A_0 = arith.muli %arg1, %mul3A : i32
    %add3A = arith.addi %mul3A_0, %arg0 : i32
    %mul3A_1 = arith.constant 10000 : i32
    %mul3A_2 = arith.muli %add3A, %mul3A_1 : i32
    %add3A_3 = arith.constant 0 : i32
    %add3A_4 = arith.addi %mul3A_2, %add3A_3 : i32
    %dma_start3A = tpu.memref_slice %arg2[%add3A_4] : memref<320000xi32, #tpu.memory_space<hbm>> -> memref<128xi32, #tpu.memory_space<hbm>>
    %dma_start3A_5 = tpu.memref_slice %arg2[%add3A_4] : memref<320000xi32, #tpu.memory_space<hbm>> -> memref<128xi32, #tpu.memory_space<hbm>>
    tpu.enqueue_dma source(%dma_start3A_5 : memref<128xi32, #tpu.memory_space<hbm>>) target(%arg6 : memref<128xi32, #tpu.memory_space<vmem>>) target_semaphore(%arg11 : memref<!tpu.dma_semaphore, #tpu.memory_space<semaphore_mem>>)
    "tpu.region"() ({
      %run_scoped3A = tpu.sem_alloc : memref<!tpu.dma_semaphore, #tpu.memory_space<semaphore_mem>>
      tpu.enqueue_dma source(%arg3 : memref<128x128xf32, #tpu.memory_space<hbm>>) target(%arg9 : memref<128x128xf32, #tpu.memory_space<vmem>>) target_semaphore(%run_scoped3A : memref<!tpu.dma_semaphore, #tpu.memory_space<semaphore_mem>>)
      tpu.wait_dma2 semaphore(%run_scoped3A : memref<!tpu.dma_semaphore, #tpu.memory_space<semaphore_mem>>) src(%arg3 : memref<128x128xf32, #tpu.memory_space<hbm>>) dst(%arg9 : memref<128x128xf32, #tpu.memory_space<vmem>>)
      tpu.yield
    }) : () -> ()
    %mul3A_6 = arith.constant 640 : i32
    %mul3A_7 = arith.muli %arg1, %mul3A_6 : i32
    "tpu.region"() ({
      %run_scoped3A = tpu.sem_alloc : memref<!tpu.dma_semaphore, #tpu.memory_space<semaphore_mem>>
      %dma_start3A_25 = arith.constant 0 : i32
      %dma_start3A_26 = tpu.memref_slice %arg10[%mul3A_7, %dma_start3A_25] : memref<10240x128xf32, #tpu.memory_space<vmem_shared>> -> memref<640x128xf32, #tpu.memory_space<vmem_shared>>
      tpu.enqueue_dma source(%arg4 : memref<640x128xf32, #tpu.memory_space<hbm>>) target(%dma_start3A_26 : memref<640x128xf32, #tpu.memory_space<vmem_shared>>) target_semaphore(%run_scoped3A : memref<!tpu.dma_semaphore, #tpu.memory_space<semaphore_mem>>)
      %dma_wait3A_27 = arith.constant 0 : i32
      %dma_wait3A_28 = tpu.memref_slice %arg10[%mul3A_7, %dma_wait3A_27] : memref<10240x128xf32, #tpu.memory_space<vmem_shared>> -> memref<640x128xf32, #tpu.memory_space<vmem_shared>>
      tpu.wait_dma2 semaphore(%run_scoped3A : memref<!tpu.dma_semaphore, #tpu.memory_space<semaphore_mem>>) src(%arg4 : memref<640x128xf32, #tpu.memory_space<hbm>>) dst(%dma_wait3A_28 : memref<640x128xf32, #tpu.memory_space<vmem_shared>>)
      tpu.yield
    }) : () -> ()
    %barrier3A = arith.constant 0 : index
    tpu.barrier barrier_id(%barrier3A)
    %scan3A = arith.constant 0 : i32
    %scan3A_8 = arith.constant 0 : i32
    %scan3A_9 = arith.constant 39 : i32
    %scan3A_10 = arith.addi %scan3A_8, %scan3A_9 : i32
    %scan3A_11 = arith.constant 1 : i32
    scf.for %scan3A_25 = %scan3A_8 to %scan3A_10 step %scan3A_11  : i32 {
      %mul3A_26 = arith.constant 2 : i32
      %mul3A_27 = arith.muli %mul3A_26, %scan3A_25 : i32
      %mul3A_28 = arith.constant 128 : i32
      %mul3A_29 = arith.muli %mul3A_27, %mul3A_28 : i32
      %add3A_30 = arith.addi %mul3A_2, %mul3A_29 : i32
      %dma_wait3A_31 = tpu.memref_slice %arg2[%add3A_30] : memref<320000xi32, #tpu.memory_space<hbm>> -> memref<128xi32, #tpu.memory_space<hbm>>
      %dma_wait3A_32 = tpu.memref_slice %arg2[%add3A_30] : memref<320000xi32, #tpu.memory_space<hbm>> -> memref<128xi32, #tpu.memory_space<hbm>>
      tpu.wait_dma2 semaphore(%arg11 : memref<!tpu.dma_semaphore, #tpu.memory_space<semaphore_mem>>) src(%dma_wait3A_32 : memref<128xi32, #tpu.memory_space<hbm>>) dst(%arg6 : memref<128xi32, #tpu.memory_space<vmem>>)
      %add3A_33 = arith.constant 1 : i32
      %add3A_34 = arith.addi %mul3A_27, %add3A_33 : i32
      %mul3A_35 = arith.constant 128 : i32
      %mul3A_36 = arith.muli %add3A_34, %mul3A_35 : i32
      %add3A_37 = arith.addi %mul3A_2, %mul3A_36 : i32
      %dma_start3A_38 = tpu.memref_slice %arg2[%add3A_37] : memref<320000xi32, #tpu.memory_space<hbm>> -> memref<128xi32, #tpu.memory_space<hbm>>
      %dma_start3A_39 = tpu.memref_slice %arg2[%add3A_37] : memref<320000xi32, #tpu.memory_space<hbm>> -> memref<128xi32, #tpu.memory_space<hbm>>
      tpu.enqueue_dma source(%dma_start3A_39 : memref<128xi32, #tpu.memory_space<hbm>>) target(%arg7 : memref<128xi32, #tpu.memory_space<vmem>>) target_semaphore(%arg12 : memref<!tpu.dma_semaphore, #tpu.memory_space<semaphore_mem>>)
      "tpu.region"() ({
        %run_scoped3A = tpu.sem_alloc : memref<!tpu.dma_semaphore, #tpu.memory_space<semaphore_mem>>
        %dma_start3A_51 = arith.constant 0 : i32
        %dma_start3A_52 = arith.constant 0 : i32
        %dma_start3A_53 = tpu.memref_slice %arg10[%dma_start3A_51, %dma_start3A_52] : memref<10240x128xf32, #tpu.memory_space<vmem_shared>> -> memref<10240x128xf32, #tpu.memory_space<vmem_shared>>
        tpu.enqueue_indirect_dma source(%arg9 : memref<128x128xf32, #tpu.memory_space<vmem>>) target(%dma_start3A_53 : memref<10240x128xf32, #tpu.memory_space<vmem_shared>>) offsets(%arg6 : memref<128xi32, #tpu.memory_space<vmem>>) semaphore(%run_scoped3A : memref<!tpu.dma_semaphore, #tpu.memory_space<semaphore_mem>>) {add = true}
        %dma_wait3A_54 = arith.constant 0 : i32
        %dma_wait3A_55 = arith.constant 0 : i32
        %dma_wait3A_56 = tpu.memref_slice %arg10[%dma_wait3A_54, %dma_wait3A_55] : memref<10240x128xf32, #tpu.memory_space<vmem_shared>> -> memref<10240x128xf32, #tpu.memory_space<vmem_shared>>
        tpu.wait_indirect_dma semaphore(%run_scoped3A : memref<!tpu.dma_semaphore, #tpu.memory_space<semaphore_mem>>) src(%arg9 : memref<128x128xf32, #tpu.memory_space<vmem>>) dst(%dma_wait3A_56 : memref<10240x128xf32, #tpu.memory_space<vmem_shared>>)
        tpu.yield
      }) : () -> ()
      %add3A_40 = arith.constant 1 : i32
      %add3A_41 = arith.addi %mul3A_27, %add3A_40 : i32
      %mul3A_42 = arith.constant 128 : i32
      %mul3A_43 = arith.muli %add3A_41, %mul3A_42 : i32
      %add3A_44 = arith.addi %mul3A_2, %mul3A_43 : i32
      %dma_wait3A_45 = tpu.memref_slice %arg2[%add3A_44] : memref<320000xi32, #tpu.memory_space<hbm>> -> memref<128xi32, #tpu.memory_space<hbm>>
      %dma_wait3A_46 = tpu.memref_slice %arg2[%add3A_44] : memref<320000xi32, #tpu.memory_space<hbm>> -> memref<128xi32, #tpu.memory_space<hbm>>
      tpu.wait_dma2 semaphore(%arg12 : memref<!tpu.dma_semaphore, #tpu.memory_space<semaphore_mem>>) src(%dma_wait3A_46 : memref<128xi32, #tpu.memory_space<hbm>>) dst(%arg7 : memref<128xi32, #tpu.memory_space<vmem>>)
      %add3A_47 = arith.constant 1 : i32
      %add3A_48 = arith.addi %scan3A_25, %add3A_47 : i32
      %lt3A = arith.constant 39 : i32
      %lt3A_49 = arith.cmpi slt, %add3A_48, %lt3A : i32
      %convert_element_type3A = arith.extui %lt3A_49 : i1 to i32
      %cond3A = arith.constant 0 : i32
      %cond3A_50 = arith.cmpi ne, %convert_element_type3A, %cond3A : i32
      scf.if %cond3A_50 {
        %add3A_51 = arith.constant 2 : i32
        %add3A_52 = arith.addi %mul3A_27, %add3A_51 : i32
        %mul3A_53 = arith.constant 128 : i32
        %mul3A_54 = arith.muli %add3A_52, %mul3A_53 : i32
        %add3A_55 = arith.addi %mul3A_2, %mul3A_54 : i32
        %dma_start3A_56 = tpu.memref_slice %arg2[%add3A_55] : memref<320000xi32, #tpu.memory_space<hbm>> -> memref<128xi32, #tpu.memory_space<hbm>>
        %dma_start3A_57 = tpu.memref_slice %arg2[%add3A_55] : memref<320000xi32, #tpu.memory_space<hbm>> -> memref<128xi32, #tpu.memory_space<hbm>>
        tpu.enqueue_dma source(%dma_start3A_57 : memref<128xi32, #tpu.memory_space<hbm>>) target(%arg6 : memref<128xi32, #tpu.memory_space<vmem>>) target_semaphore(%arg11 : memref<!tpu.dma_semaphore, #tpu.memory_space<semaphore_mem>>)
      } else {
      }
      "tpu.region"() ({
        %run_scoped3A = tpu.sem_alloc : memref<!tpu.dma_semaphore, #tpu.memory_space<semaphore_mem>>
        %dma_start3A_51 = arith.constant 0 : i32
        %dma_start3A_52 = arith.constant 0 : i32
        %dma_start3A_53 = tpu.memref_slice %arg10[%dma_start3A_51, %dma_start3A_52] : memref<10240x128xf32, #tpu.memory_space<vmem_shared>> -> memref<10240x128xf32, #tpu.memory_space<vmem_shared>>
        tpu.enqueue_indirect_dma source(%arg9 : memref<128x128xf32, #tpu.memory_space<vmem>>) target(%dma_start3A_53 : memref<10240x128xf32, #tpu.memory_space<vmem_shared>>) offsets(%arg7 : memref<128xi32, #tpu.memory_space<vmem>>) semaphore(%run_scoped3A : memref<!tpu.dma_semaphore, #tpu.memory_space<semaphore_mem>>) {add = true}
        %dma_wait3A_54 = arith.constant 0 : i32
        %dma_wait3A_55 = arith.constant 0 : i32
        %dma_wait3A_56 = tpu.memref_slice %arg10[%dma_wait3A_54, %dma_wait3A_55] : memref<10240x128xf32, #tpu.memory_space<vmem_shared>> -> memref<10240x128xf32, #tpu.memory_space<vmem_shared>>
        tpu.wait_indirect_dma semaphore(%run_scoped3A : memref<!tpu.dma_semaphore, #tpu.memory_space<semaphore_mem>>) src(%arg9 : memref<128x128xf32, #tpu.memory_space<vmem>>) dst(%dma_wait3A_56 : memref<10240x128xf32, #tpu.memory_space<vmem_shared>>)
        tpu.yield
      }) : () -> ()
    }
    %scan3A_12 = arith.constant 39 : i32
    %add3A_13 = arith.constant 9984 : i32
    %add3A_14 = arith.addi %mul3A_2, %add3A_13 : i32
    %dma_start3A_15 = tpu.memref_slice %arg2[%add3A_14] : memref<320000xi32, #tpu.memory_space<hbm>> -> memref<16xi32, #tpu.memory_space<hbm>>
    %dma_start3A_16 = tpu.memref_slice %arg2[%add3A_14] : memref<320000xi32, #tpu.memory_space<hbm>> -> memref<16xi32, #tpu.memory_space<hbm>>
    tpu.enqueue_dma source(%dma_start3A_16 : memref<16xi32, #tpu.memory_space<hbm>>) target(%arg8 : memref<16xi32, #tpu.memory_space<vmem>>) target_semaphore(%arg11 : memref<!tpu.dma_semaphore, #tpu.memory_space<semaphore_mem>>)
    %add3A_17 = arith.constant 9984 : i32
    %add3A_18 = arith.addi %mul3A_2, %add3A_17 : i32
    %dma_wait3A = tpu.memref_slice %arg2[%add3A_18] : memref<320000xi32, #tpu.memory_space<hbm>> -> memref<16xi32, #tpu.memory_space<hbm>>
    %dma_wait3A_19 = tpu.memref_slice %arg2[%add3A_18] : memref<320000xi32, #tpu.memory_space<hbm>> -> memref<16xi32, #tpu.memory_space<hbm>>
    tpu.wait_dma2 semaphore(%arg11 : memref<!tpu.dma_semaphore, #tpu.memory_space<semaphore_mem>>) src(%dma_wait3A_19 : memref<16xi32, #tpu.memory_space<hbm>>) dst(%arg8 : memref<16xi32, #tpu.memory_space<vmem>>)
    "tpu.region"() ({
      %run_scoped3A = tpu.sem_alloc : memref<!tpu.dma_semaphore, #tpu.memory_space<semaphore_mem>>
      %dma_start3A_25 = arith.constant 0 : i32
      %dma_start3A_26 = arith.constant 0 : i32
      %dma_start3A_27 = tpu.memref_slice %arg9[%dma_start3A_25, %dma_start3A_26] : memref<128x128xf32, #tpu.memory_space<vmem>> -> memref<16x128xf32, #tpu.memory_space<vmem>>
      %dma_start3A_28 = arith.constant 0 : i32
      %dma_start3A_29 = arith.constant 0 : i32
      %dma_start3A_30 = tpu.memref_slice %arg10[%dma_start3A_28, %dma_start3A_29] : memref<10240x128xf32, #tpu.memory_space<vmem_shared>> -> memref<10240x128xf32, #tpu.memory_space<vmem_shared>>
      tpu.enqueue_indirect_dma source(%dma_start3A_27 : memref<16x128xf32, #tpu.memory_space<vmem>>) target(%dma_start3A_30 : memref<10240x128xf32, #tpu.memory_space<vmem_shared>>) offsets(%arg8 : memref<16xi32, #tpu.memory_space<vmem>>) semaphore(%run_scoped3A : memref<!tpu.dma_semaphore, #tpu.memory_space<semaphore_mem>>) {add = true}
      %dma_wait3A_31 = arith.constant 0 : i32
      %dma_wait3A_32 = arith.constant 0 : i32
      %dma_wait3A_33 = tpu.memref_slice %arg9[%dma_wait3A_31, %dma_wait3A_32] : memref<128x128xf32, #tpu.memory_space<vmem>> -> memref<16x128xf32, #tpu.memory_space<vmem>>
      %dma_wait3A_34 = arith.constant 0 : i32
      %dma_wait3A_35 = arith.constant 0 : i32
      %dma_wait3A_36 = tpu.memref_slice %arg10[%dma_wait3A_34, %dma_wait3A_35] : memref<10240x128xf32, #tpu.memory_space<vmem_shared>> -> memref<10240x128xf32, #tpu.memory_space<vmem_shared>>
      tpu.wait_indirect_dma semaphore(%run_scoped3A : memref<!tpu.dma_semaphore, #tpu.memory_space<semaphore_mem>>) src(%dma_wait3A_33 : memref<16x128xf32, #tpu.memory_space<vmem>>) dst(%dma_wait3A_36 : memref<10240x128xf32, #tpu.memory_space<vmem_shared>>)
      tpu.yield
    }) : () -> ()
    %barrier3A_20 = arith.constant 0 : index
    tpu.barrier barrier_id(%barrier3A_20)
    %mul3A_21 = arith.constant 640 : i32
    %mul3A_22 = arith.muli %arg1, %mul3A_21 : i32
    %mul3A_23 = arith.constant 640 : i32
    %mul3A_24 = arith.muli %arg1, %mul3A_23 : i32
    "tpu.region"() ({
      %run_scoped3A = tpu.sem_alloc : memref<!tpu.dma_semaphore, #tpu.memory_space<semaphore_mem>>
      %dma_start3A_25 = arith.constant 0 : i32
      %dma_start3A_26 = tpu.memref_slice %arg5[%arg0, %mul3A_24, %dma_start3A_25] : memref<2x10240x128xf32, #tpu.memory_space<hbm>> -> memref<1x640x128xf32, #tpu.memory_space<hbm>>
      %dma_start3A_27 = tpu.memref_squeeze %dma_start3A_26 : memref<1x640x128xf32, #tpu.memory_space<hbm>> -> memref<640x128xf32, #tpu.memory_space<hbm>>
      %dma_start3A_28 = arith.constant 0 : i32
      %dma_start3A_29 = tpu.memref_slice %arg10[%mul3A_22, %dma_start3A_28] : memref<10240x128xf32, #tpu.memory_space<vmem_shared>> -> memref<640x128xf32, #tpu.memory_space<vmem_shared>>
      tpu.enqueue_dma source(%dma_start3A_29 : memref<640x128xf32, #tpu.memory_space<vmem_shared>>) target(%dma_start3A_27 : memref<640x128xf32, #tpu.memory_space<hbm>>) target_semaphore(%run_scoped3A : memref<!tpu.dma_semaphore, #tpu.memory_space<semaphore_mem>>)
      %dma_wait3A_30 = arith.constant 0 : i32
      %dma_wait3A_31 = tpu.memref_slice %arg5[%arg0, %mul3A_24, %dma_wait3A_30] : memref<2x10240x128xf32, #tpu.memory_space<hbm>> -> memref<1x640x128xf32, #tpu.memory_space<hbm>>
      %dma_wait3A_32 = tpu.memref_squeeze %dma_wait3A_31 : memref<1x640x128xf32, #tpu.memory_space<hbm>> -> memref<640x128xf32, #tpu.memory_space<hbm>>
      %dma_wait3A_33 = arith.constant 0 : i32
      %dma_wait3A_34 = tpu.memref_slice %arg10[%mul3A_22, %dma_wait3A_33] : memref<10240x128xf32, #tpu.memory_space<vmem_shared>> -> memref<640x128xf32, #tpu.memory_space<vmem_shared>>
      tpu.wait_dma2 semaphore(%run_scoped3A : memref<!tpu.dma_semaphore, #tpu.memory_space<semaphore_mem>>) src(%dma_wait3A_34 : memref<640x128xf32, #tpu.memory_space<vmem_shared>>) dst(%dma_wait3A_32 : memref<640x128xf32, #tpu.memory_space<hbm>>)
      tpu.yield
    }) : () -> ()
    return
  }
}

#map = affine_map<(d0, d1) -> (0, 0)>
#map1 = affine_map<(d0, d1) -> (0)>
#map2 = affine_map<(d0, d1) -> (0, 0, 0)>
module attributes {stable_mosaic.version = 14 : i64} {
  func.func @_scat_body(%arg0: i32, %arg1: i32, %arg2: memref<10000x128xf32, #tpu.memory_space<hbm>>, %arg3: memref<320000xi32, #tpu.memory_space<hbm>>, %arg4: memref<320000xi32, #tpu.memory_space<hbm>>, %arg5: memref<640x128xf32, #tpu.memory_space<hbm>>, %arg6: memref<2x10240x128xf32, #tpu.memory_space<hbm>>, %arg7: memref<128xi32, #tpu.memory_space<vmem>>, %arg8: memref<128xi32, #tpu.memory_space<vmem>>, %arg9: memref<128xi32, #tpu.memory_space<vmem>>, %arg10: memref<128xi32, #tpu.memory_space<vmem>>, %arg11: memref<16xi32, #tpu.memory_space<vmem>>, %arg12: memref<16xi32, #tpu.memory_space<vmem>>, %arg13: memref<128x128xf32, #tpu.memory_space<vmem>>, %arg14: memref<128x128xf32, #tpu.memory_space<vmem>>, %arg15: memref<16x128xf32, #tpu.memory_space<vmem>>, %arg16: memref<10240x128xf32, #tpu.memory_space<vmem_shared>>, %arg17: memref<!tpu.dma_semaphore, #tpu.memory_space<semaphore_mem>>, %arg18: memref<!tpu.dma_semaphore, #tpu.memory_space<semaphore_mem>>, %arg19: memref<!tpu.dma_semaphore, #tpu.memory_space<semaphore_mem>>, %arg20: memref<!tpu.dma_semaphore, #tpu.memory_space<semaphore_mem>>) attributes {dimension_semantics = [#tpu.dimension_semantics<core_parallel>, #tpu.dimension_semantics<subcore_parallel>], iteration_bounds = array<i64: 2, 16>, scalar_prefetch = 0 : i64, scratch_operands = 14 : i64, tpu.core_type = #tpu.core_type<sc_vector_subcore>, window_params = [{transform_indices = #map}, {transform_indices = #map1}, {transform_indices = #map1}, {transform_indices = #map}, {transform_indices = #map2}]} {
    %mul3A = arith.constant 2 : i32
    %mul3A_0 = arith.muli %arg1, %mul3A : i32
    %add3A = arith.addi %mul3A_0, %arg0 : i32
    %mul3A_1 = arith.constant 10000 : i32
    %mul3A_2 = arith.muli %add3A, %mul3A_1 : i32
    %add3A_3 = arith.constant 0 : i32
    %add3A_4 = arith.addi %mul3A_2, %add3A_3 : i32
    %dma_start3A = tpu.memref_slice %arg3[%add3A_4] : memref<320000xi32, #tpu.memory_space<hbm>> -> memref<128xi32, #tpu.memory_space<hbm>>
    %dma_start3A_5 = tpu.memref_slice %arg3[%add3A_4] : memref<320000xi32, #tpu.memory_space<hbm>> -> memref<128xi32, #tpu.memory_space<hbm>>
    tpu.enqueue_dma source(%dma_start3A_5 : memref<128xi32, #tpu.memory_space<hbm>>) target(%arg7 : memref<128xi32, #tpu.memory_space<vmem>>) target_semaphore(%arg17 : memref<!tpu.dma_semaphore, #tpu.memory_space<semaphore_mem>>)
    %add3A_6 = arith.constant 0 : i32
    %add3A_7 = arith.addi %mul3A_2, %add3A_6 : i32
    %dma_start3A_8 = tpu.memref_slice %arg4[%add3A_7] : memref<320000xi32, #tpu.memory_space<hbm>> -> memref<128xi32, #tpu.memory_space<hbm>>
    %dma_start3A_9 = tpu.memref_slice %arg4[%add3A_7] : memref<320000xi32, #tpu.memory_space<hbm>> -> memref<128xi32, #tpu.memory_space<hbm>>
    tpu.enqueue_dma source(%dma_start3A_9 : memref<128xi32, #tpu.memory_space<hbm>>) target(%arg8 : memref<128xi32, #tpu.memory_space<vmem>>) target_semaphore(%arg17 : memref<!tpu.dma_semaphore, #tpu.memory_space<semaphore_mem>>)
    %mul3A_10 = arith.constant 640 : i32
    %mul3A_11 = arith.muli %arg1, %mul3A_10 : i32
    "tpu.region"() ({
      %run_scoped3A = tpu.sem_alloc : memref<!tpu.dma_semaphore, #tpu.memory_space<semaphore_mem>>
      %dma_start3A_46 = arith.constant 0 : i32
      %dma_start3A_47 = tpu.memref_slice %arg16[%mul3A_11, %dma_start3A_46] : memref<10240x128xf32, #tpu.memory_space<vmem_shared>> -> memref<640x128xf32, #tpu.memory_space<vmem_shared>>
      tpu.enqueue_dma source(%arg5 : memref<640x128xf32, #tpu.memory_space<hbm>>) target(%dma_start3A_47 : memref<640x128xf32, #tpu.memory_space<vmem_shared>>) target_semaphore(%run_scoped3A : memref<!tpu.dma_semaphore, #tpu.memory_space<semaphore_mem>>)
      %dma_wait3A_48 = arith.constant 0 : i32
      %dma_wait3A_49 = tpu.memref_slice %arg16[%mul3A_11, %dma_wait3A_48] : memref<10240x128xf32, #tpu.memory_space<vmem_shared>> -> memref<640x128xf32, #tpu.memory_space<vmem_shared>>
      tpu.wait_dma2 semaphore(%run_scoped3A : memref<!tpu.dma_semaphore, #tpu.memory_space<semaphore_mem>>) src(%arg5 : memref<640x128xf32, #tpu.memory_space<hbm>>) dst(%dma_wait3A_49 : memref<640x128xf32, #tpu.memory_space<vmem_shared>>)
      tpu.yield
    }) : () -> ()
    %barrier3A = arith.constant 0 : index
    tpu.barrier barrier_id(%barrier3A)
    %scan3A = arith.constant 0 : i32
    %scan3A_12 = arith.constant 0 : i32
    %scan3A_13 = arith.constant 39 : i32
    %scan3A_14 = arith.addi %scan3A_12, %scan3A_13 : i32
    %scan3A_15 = arith.constant 1 : i32
    scf.for %scan3A_46 = %scan3A_12 to %scan3A_14 step %scan3A_15  : i32 {
      %mul3A_47 = arith.constant 2 : i32
      %mul3A_48 = arith.muli %mul3A_47, %scan3A_46 : i32
      %mul3A_49 = arith.constant 128 : i32
      %mul3A_50 = arith.muli %mul3A_48, %mul3A_49 : i32
      %add3A_51 = arith.addi %mul3A_2, %mul3A_50 : i32
      %dma_wait3A_52 = tpu.memref_slice %arg3[%add3A_51] : memref<320000xi32, #tpu.memory_space<hbm>> -> memref<128xi32, #tpu.memory_space<hbm>>
      %dma_wait3A_53 = tpu.memref_slice %arg3[%add3A_51] : memref<320000xi32, #tpu.memory_space<hbm>> -> memref<128xi32, #tpu.memory_space<hbm>>
      tpu.wait_dma2 semaphore(%arg17 : memref<!tpu.dma_semaphore, #tpu.memory_space<semaphore_mem>>) src(%dma_wait3A_53 : memref<128xi32, #tpu.memory_space<hbm>>) dst(%arg7 : memref<128xi32, #tpu.memory_space<vmem>>)
      %mul3A_54 = arith.constant 128 : i32
      %mul3A_55 = arith.muli %mul3A_48, %mul3A_54 : i32
      %add3A_56 = arith.addi %mul3A_2, %mul3A_55 : i32
      %dma_wait3A_57 = tpu.memref_slice %arg4[%add3A_56] : memref<320000xi32, #tpu.memory_space<hbm>> -> memref<128xi32, #tpu.memory_space<hbm>>
      %dma_wait3A_58 = tpu.memref_slice %arg4[%add3A_56] : memref<320000xi32, #tpu.memory_space<hbm>> -> memref<128xi32, #tpu.memory_space<hbm>>
      tpu.wait_dma2 semaphore(%arg17 : memref<!tpu.dma_semaphore, #tpu.memory_space<semaphore_mem>>) src(%dma_wait3A_58 : memref<128xi32, #tpu.memory_space<hbm>>) dst(%arg8 : memref<128xi32, #tpu.memory_space<vmem>>)
      %dma_start3A_59 = arith.constant 0 : i32
      %dma_start3A_60 = arith.constant 0 : i32
      %dma_start3A_61 = tpu.memref_slice %arg2[%dma_start3A_59, %dma_start3A_60] : memref<10000x128xf32, #tpu.memory_space<hbm>> -> memref<10000x128xf32, #tpu.memory_space<hbm>>
      tpu.enqueue_indirect_dma source(%dma_start3A_61 : memref<10000x128xf32, #tpu.memory_space<hbm>>) target(%arg13 : memref<128x128xf32, #tpu.memory_space<vmem>>) offsets(%arg7 : memref<128xi32, #tpu.memory_space<vmem>>) semaphore(%arg19 : memref<!tpu.dma_semaphore, #tpu.memory_space<semaphore_mem>>)
      %gt3A = arith.constant 0 : i32
      %gt3A_62 = arith.cmpi sgt, %scan3A_46, %gt3A : i32
      %convert_element_type3A = arith.extui %gt3A_62 : i1 to i32
      %cond3A = arith.constant 0 : i32
      %cond3A_63 = arith.cmpi ne, %convert_element_type3A, %cond3A : i32
      scf.if %cond3A_63 {
        %dma_wait3A_100 = arith.constant 0 : i32
        %dma_wait3A_101 = arith.constant 0 : i32
        %dma_wait3A_102 = tpu.memref_slice %arg2[%dma_wait3A_100, %dma_wait3A_101] : memref<10000x128xf32, #tpu.memory_space<hbm>> -> memref<10000x128xf32, #tpu.memory_space<hbm>>
        tpu.wait_indirect_dma semaphore(%arg20 : memref<!tpu.dma_semaphore, #tpu.memory_space<semaphore_mem>>) src(%dma_wait3A_102 : memref<10000x128xf32, #tpu.memory_space<hbm>>) dst(%arg14 : memref<128x128xf32, #tpu.memory_space<vmem>>)
        "tpu.region"() ({
          %run_scoped3A = tpu.sem_alloc : memref<!tpu.dma_semaphore, #tpu.memory_space<semaphore_mem>>
          %dma_start3A_103 = arith.constant 0 : i32
          %dma_start3A_104 = arith.constant 0 : i32
          %dma_start3A_105 = tpu.memref_slice %arg16[%dma_start3A_103, %dma_start3A_104] : memref<10240x128xf32, #tpu.memory_space<vmem_shared>> -> memref<10240x128xf32, #tpu.memory_space<vmem_shared>>
          tpu.enqueue_indirect_dma source(%arg14 : memref<128x128xf32, #tpu.memory_space<vmem>>) target(%dma_start3A_105 : memref<10240x128xf32, #tpu.memory_space<vmem_shared>>) offsets(%arg10 : memref<128xi32, #tpu.memory_space<vmem>>) semaphore(%run_scoped3A : memref<!tpu.dma_semaphore, #tpu.memory_space<semaphore_mem>>) {add = true}
          %dma_wait3A_106 = arith.constant 0 : i32
          %dma_wait3A_107 = arith.constant 0 : i32
          %dma_wait3A_108 = tpu.memref_slice %arg16[%dma_wait3A_106, %dma_wait3A_107] : memref<10240x128xf32, #tpu.memory_space<vmem_shared>> -> memref<10240x128xf32, #tpu.memory_space<vmem_shared>>
          tpu.wait_indirect_dma semaphore(%run_scoped3A : memref<!tpu.dma_semaphore, #tpu.memory_space<semaphore_mem>>) src(%arg14 : memref<128x128xf32, #tpu.memory_space<vmem>>) dst(%dma_wait3A_108 : memref<10240x128xf32, #tpu.memory_space<vmem_shared>>)
          tpu.yield
        }) : () -> ()
      } else {
      }
      %add3A_64 = arith.constant 1 : i32
      %add3A_65 = arith.addi %mul3A_48, %add3A_64 : i32
      %mul3A_66 = arith.constant 128 : i32
      %mul3A_67 = arith.muli %add3A_65, %mul3A_66 : i32
      %add3A_68 = arith.addi %mul3A_2, %mul3A_67 : i32
      %dma_start3A_69 = tpu.memref_slice %arg3[%add3A_68] : memref<320000xi32, #tpu.memory_space<hbm>> -> memref<128xi32, #tpu.memory_space<hbm>>
      %dma_start3A_70 = tpu.memref_slice %arg3[%add3A_68] : memref<320000xi32, #tpu.memory_space<hbm>> -> memref<128xi32, #tpu.memory_space<hbm>>
      tpu.enqueue_dma source(%dma_start3A_70 : memref<128xi32, #tpu.memory_space<hbm>>) target(%arg9 : memref<128xi32, #tpu.memory_space<vmem>>) target_semaphore(%arg18 : memref<!tpu.dma_semaphore, #tpu.memory_space<semaphore_mem>>)
      %mul3A_71 = arith.constant 128 : i32
      %mul3A_72 = arith.muli %add3A_65, %mul3A_71 : i32
      %add3A_73 = arith.addi %mul3A_2, %mul3A_72 : i32
      %dma_start3A_74 = tpu.memref_slice %arg4[%add3A_73] : memref<320000xi32, #tpu.memory_space<hbm>> -> memref<128xi32, #tpu.memory_space<hbm>>
      %dma_start3A_75 = tpu.memref_slice %arg4[%add3A_73] : memref<320000xi32, #tpu.memory_space<hbm>> -> memref<128xi32, #tpu.memory_space<hbm>>
      tpu.enqueue_dma source(%dma_start3A_75 : memref<128xi32, #tpu.memory_space<hbm>>) target(%arg10 : memref<128xi32, #tpu.memory_space<vmem>>) target_semaphore(%arg18 : memref<!tpu.dma_semaphore, #tpu.memory_space<semaphore_mem>>)
      %add3A_76 = arith.constant 1 : i32
      %add3A_77 = arith.addi %mul3A_48, %add3A_76 : i32
      %mul3A_78 = arith.constant 128 : i32
      %mul3A_79 = arith.muli %add3A_77, %mul3A_78 : i32
      %add3A_80 = arith.addi %mul3A_2, %mul3A_79 : i32
      %dma_wait3A_81 = tpu.memref_slice %arg3[%add3A_80] : memref<320000xi32, #tpu.memory_space<hbm>> -> memref<128xi32, #tpu.memory_space<hbm>>
      %dma_wait3A_82 = tpu.memref_slice %arg3[%add3A_80] : memref<320000xi32, #tpu.memory_space<hbm>> -> memref<128xi32, #tpu.memory_space<hbm>>
      tpu.wait_dma2 semaphore(%arg18 : memref<!tpu.dma_semaphore, #tpu.memory_space<semaphore_mem>>) src(%dma_wait3A_82 : memref<128xi32, #tpu.memory_space<hbm>>) dst(%arg9 : memref<128xi32, #tpu.memory_space<vmem>>)
      %mul3A_83 = arith.constant 128 : i32
      %mul3A_84 = arith.muli %add3A_77, %mul3A_83 : i32
      %add3A_85 = arith.addi %mul3A_2, %mul3A_84 : i32
      %dma_wait3A_86 = tpu.memref_slice %arg4[%add3A_85] : memref<320000xi32, #tpu.memory_space<hbm>> -> memref<128xi32, #tpu.memory_space<hbm>>
      %dma_wait3A_87 = tpu.memref_slice %arg4[%add3A_85] : memref<320000xi32, #tpu.memory_space<hbm>> -> memref<128xi32, #tpu.memory_space<hbm>>
      tpu.wait_dma2 semaphore(%arg18 : memref<!tpu.dma_semaphore, #tpu.memory_space<semaphore_mem>>) src(%dma_wait3A_87 : memref<128xi32, #tpu.memory_space<hbm>>) dst(%arg10 : memref<128xi32, #tpu.memory_space<vmem>>)
      %dma_start3A_88 = arith.constant 0 : i32
      %dma_start3A_89 = arith.constant 0 : i32
      %dma_start3A_90 = tpu.memref_slice %arg2[%dma_start3A_88, %dma_start3A_89] : memref<10000x128xf32, #tpu.memory_space<hbm>> -> memref<10000x128xf32, #tpu.memory_space<hbm>>
      tpu.enqueue_indirect_dma source(%dma_start3A_90 : memref<10000x128xf32, #tpu.memory_space<hbm>>) target(%arg14 : memref<128x128xf32, #tpu.memory_space<vmem>>) offsets(%arg9 : memref<128xi32, #tpu.memory_space<vmem>>) semaphore(%arg20 : memref<!tpu.dma_semaphore, #tpu.memory_space<semaphore_mem>>)
      %dma_wait3A_91 = arith.constant 0 : i32
      %dma_wait3A_92 = arith.constant 0 : i32
      %dma_wait3A_93 = tpu.memref_slice %arg2[%dma_wait3A_91, %dma_wait3A_92] : memref<10000x128xf32, #tpu.memory_space<hbm>> -> memref<10000x128xf32, #tpu.memory_space<hbm>>
      tpu.wait_indirect_dma semaphore(%arg19 : memref<!tpu.dma_semaphore, #tpu.memory_space<semaphore_mem>>) src(%dma_wait3A_93 : memref<10000x128xf32, #tpu.memory_space<hbm>>) dst(%arg13 : memref<128x128xf32, #tpu.memory_space<vmem>>)
      "tpu.region"() ({
        %run_scoped3A = tpu.sem_alloc : memref<!tpu.dma_semaphore, #tpu.memory_space<semaphore_mem>>
        %dma_start3A_100 = arith.constant 0 : i32
        %dma_start3A_101 = arith.constant 0 : i32
        %dma_start3A_102 = tpu.memref_slice %arg16[%dma_start3A_100, %dma_start3A_101] : memref<10240x128xf32, #tpu.memory_space<vmem_shared>> -> memref<10240x128xf32, #tpu.memory_space<vmem_shared>>
        tpu.enqueue_indirect_dma source(%arg13 : memref<128x128xf32, #tpu.memory_space<vmem>>) target(%dma_start3A_102 : memref<10240x128xf32, #tpu.memory_space<vmem_shared>>) offsets(%arg8 : memref<128xi32, #tpu.memory_space<vmem>>) semaphore(%run_scoped3A : memref<!tpu.dma_semaphore, #tpu.memory_space<semaphore_mem>>) {add = true}
        %dma_wait3A_103 = arith.constant 0 : i32
        %dma_wait3A_104 = arith.constant 0 : i32
        %dma_wait3A_105 = tpu.memref_slice %arg16[%dma_wait3A_103, %dma_wait3A_104] : memref<10240x128xf32, #tpu.memory_space<vmem_shared>> -> memref<10240x128xf32, #tpu.memory_space<vmem_shared>>
        tpu.wait_indirect_dma semaphore(%run_scoped3A : memref<!tpu.dma_semaphore, #tpu.memory_space<semaphore_mem>>) src(%arg13 : memref<128x128xf32, #tpu.memory_space<vmem>>) dst(%dma_wait3A_105 : memref<10240x128xf32, #tpu.memory_space<vmem_shared>>)
        tpu.yield
      }) : () -> ()
      %add3A_94 = arith.constant 1 : i32
      %add3A_95 = arith.addi %scan3A_46, %add3A_94 : i32
      %lt3A = arith.constant 39 : i32
      %lt3A_96 = arith.cmpi slt, %add3A_95, %lt3A : i32
      %convert_element_type3A_97 = arith.extui %lt3A_96 : i1 to i32
      %cond3A_98 = arith.constant 0 : i32
      %cond3A_99 = arith.cmpi ne, %convert_element_type3A_97, %cond3A_98 : i32
      scf.if %cond3A_99 {
        %add3A_100 = arith.constant 2 : i32
        %add3A_101 = arith.addi %mul3A_48, %add3A_100 : i32
        %mul3A_102 = arith.constant 128 : i32
        %mul3A_103 = arith.muli %add3A_101, %mul3A_102 : i32
        %add3A_104 = arith.addi %mul3A_2, %mul3A_103 : i32
        %dma_start3A_105 = tpu.memref_slice %arg3[%add3A_104] : memref<320000xi32, #tpu.memory_space<hbm>> -> memref<128xi32, #tpu.memory_space<hbm>>
        %dma_start3A_106 = tpu.memref_slice %arg3[%add3A_104] : memref<320000xi32, #tpu.memory_space<hbm>> -> memref<128xi32, #tpu.memory_space<hbm>>
        tpu.enqueue_dma source(%dma_start3A_106 : memref<128xi32, #tpu.memory_space<hbm>>) target(%arg7 : memref<128xi32, #tpu.memory_space<vmem>>) target_semaphore(%arg17 : memref<!tpu.dma_semaphore, #tpu.memory_space<semaphore_mem>>)
        %mul3A_107 = arith.constant 128 : i32
        %mul3A_108 = arith.muli %add3A_101, %mul3A_107 : i32
        %add3A_109 = arith.addi %mul3A_2, %mul3A_108 : i32
        %dma_start3A_110 = tpu.memref_slice %arg4[%add3A_109] : memref<320000xi32, #tpu.memory_space<hbm>> -> memref<128xi32, #tpu.memory_space<hbm>>
        %dma_start3A_111 = tpu.memref_slice %arg4[%add3A_109] : memref<320000xi32, #tpu.memory_space<hbm>> -> memref<128xi32, #tpu.memory_space<hbm>>
        tpu.enqueue_dma source(%dma_start3A_111 : memref<128xi32, #tpu.memory_space<hbm>>) target(%arg8 : memref<128xi32, #tpu.memory_space<vmem>>) target_semaphore(%arg17 : memref<!tpu.dma_semaphore, #tpu.memory_space<semaphore_mem>>)
      } else {
      }
    }
    %scan3A_16 = arith.constant 39 : i32
    %add3A_17 = arith.constant 9984 : i32
    %add3A_18 = arith.addi %mul3A_2, %add3A_17 : i32
    %dma_start3A_19 = tpu.memref_slice %arg3[%add3A_18] : memref<320000xi32, #tpu.memory_space<hbm>> -> memref<16xi32, #tpu.memory_space<hbm>>
    %dma_start3A_20 = tpu.memref_slice %arg3[%add3A_18] : memref<320000xi32, #tpu.memory_space<hbm>> -> memref<16xi32, #tpu.memory_space<hbm>>
    tpu.enqueue_dma source(%dma_start3A_20 : memref<16xi32, #tpu.memory_space<hbm>>) target(%arg11 : memref<16xi32, #tpu.memory_space<vmem>>) target_semaphore(%arg17 : memref<!tpu.dma_semaphore, #tpu.memory_space<semaphore_mem>>)
    %add3A_21 = arith.constant 9984 : i32
    %add3A_22 = arith.addi %mul3A_2, %add3A_21 : i32
    %dma_start3A_23 = tpu.memref_slice %arg4[%add3A_22] : memref<320000xi32, #tpu.memory_space<hbm>> -> memref<16xi32, #tpu.memory_space<hbm>>
    %dma_start3A_24 = tpu.memref_slice %arg4[%add3A_22] : memref<320000xi32, #tpu.memory_space<hbm>> -> memref<16xi32, #tpu.memory_space<hbm>>
    tpu.enqueue_dma source(%dma_start3A_24 : memref<16xi32, #tpu.memory_space<hbm>>) target(%arg12 : memref<16xi32, #tpu.memory_space<vmem>>) target_semaphore(%arg17 : memref<!tpu.dma_semaphore, #tpu.memory_space<semaphore_mem>>)
    %dma_wait3A = arith.constant 0 : i32
    %dma_wait3A_25 = arith.constant 0 : i32
    %dma_wait3A_26 = tpu.memref_slice %arg2[%dma_wait3A, %dma_wait3A_25] : memref<10000x128xf32, #tpu.memory_space<hbm>> -> memref<10000x128xf32, #tpu.memory_space<hbm>>
    tpu.wait_indirect_dma semaphore(%arg20 : memref<!tpu.dma_semaphore, #tpu.memory_space<semaphore_mem>>) src(%dma_wait3A_26 : memref<10000x128xf32, #tpu.memory_space<hbm>>) dst(%arg14 : memref<128x128xf32, #tpu.memory_space<vmem>>)
    "tpu.region"() ({
      %run_scoped3A = tpu.sem_alloc : memref<!tpu.dma_semaphore, #tpu.memory_space<semaphore_mem>>
      %dma_start3A_46 = arith.constant 0 : i32
      %dma_start3A_47 = arith.constant 0 : i32
      %dma_start3A_48 = tpu.memref_slice %arg16[%dma_start3A_46, %dma_start3A_47] : memref<10240x128xf32, #tpu.memory_space<vmem_shared>> -> memref<10240x128xf32, #tpu.memory_space<vmem_shared>>
      tpu.enqueue_indirect_dma source(%arg14 : memref<128x128xf32, #tpu.memory_space<vmem>>) target(%dma_start3A_48 : memref<10240x128xf32, #tpu.memory_space<vmem_shared>>) offsets(%arg10 : memref<128xi32, #tpu.memory_space<vmem>>) semaphore(%run_scoped3A : memref<!tpu.dma_semaphore, #tpu.memory_space<semaphore_mem>>) {add = true}
      %dma_wait3A_49 = arith.constant 0 : i32
      %dma_wait3A_50 = arith.constant 0 : i32
      %dma_wait3A_51 = tpu.memref_slice %arg16[%dma_wait3A_49, %dma_wait3A_50] : memref<10240x128xf32, #tpu.memory_space<vmem_shared>> -> memref<10240x128xf32, #tpu.memory_space<vmem_shared>>
      tpu.wait_indirect_dma semaphore(%run_scoped3A : memref<!tpu.dma_semaphore, #tpu.memory_space<semaphore_mem>>) src(%arg14 : memref<128x128xf32, #tpu.memory_space<vmem>>) dst(%dma_wait3A_51 : memref<10240x128xf32, #tpu.memory_space<vmem_shared>>)
      tpu.yield
    }) : () -> ()
    %add3A_27 = arith.constant 9984 : i32
    %add3A_28 = arith.addi %mul3A_2, %add3A_27 : i32
    %dma_wait3A_29 = tpu.memref_slice %arg3[%add3A_28] : memref<320000xi32, #tpu.memory_space<hbm>> -> memref<16xi32, #tpu.memory_space<hbm>>
    %dma_wait3A_30 = tpu.memref_slice %arg3[%add3A_28] : memref<320000xi32, #tpu.memory_space<hbm>> -> memref<16xi32, #tpu.memory_space<hbm>>
    tpu.wait_dma2 semaphore(%arg17 : memref<!tpu.dma_semaphore, #tpu.memory_space<semaphore_mem>>) src(%dma_wait3A_30 : memref<16xi32, #tpu.memory_space<hbm>>) dst(%arg11 : memref<16xi32, #tpu.memory_space<vmem>>)
    %add3A_31 = arith.constant 9984 : i32
    %add3A_32 = arith.addi %mul3A_2, %add3A_31 : i32
    %dma_wait3A_33 = tpu.memref_slice %arg4[%add3A_32] : memref<320000xi32, #tpu.memory_space<hbm>> -> memref<16xi32, #tpu.memory_space<hbm>>
    %dma_wait3A_34 = tpu.memref_slice %arg4[%add3A_32] : memref<320000xi32, #tpu.memory_space<hbm>> -> memref<16xi32, #tpu.memory_space<hbm>>
    tpu.wait_dma2 semaphore(%arg17 : memref<!tpu.dma_semaphore, #tpu.memory_space<semaphore_mem>>) src(%dma_wait3A_34 : memref<16xi32, #tpu.memory_space<hbm>>) dst(%arg12 : memref<16xi32, #tpu.memory_space<vmem>>)
    %dma_start3A_35 = arith.constant 0 : i32
    %dma_start3A_36 = arith.constant 0 : i32
    %dma_start3A_37 = tpu.memref_slice %arg2[%dma_start3A_35, %dma_start3A_36] : memref<10000x128xf32, #tpu.memory_space<hbm>> -> memref<10000x128xf32, #tpu.memory_space<hbm>>
    tpu.enqueue_indirect_dma source(%dma_start3A_37 : memref<10000x128xf32, #tpu.memory_space<hbm>>) target(%arg15 : memref<16x128xf32, #tpu.memory_space<vmem>>) offsets(%arg11 : memref<16xi32, #tpu.memory_space<vmem>>) semaphore(%arg19 : memref<!tpu.dma_semaphore, #tpu.memory_space<semaphore_mem>>)
    %dma_wait3A_38 = arith.constant 0 : i32
    %dma_wait3A_39 = arith.constant 0 : i32
    %dma_wait3A_40 = tpu.memref_slice %arg2[%dma_wait3A_38, %dma_wait3A_39] : memref<10000x128xf32, #tpu.memory_space<hbm>> -> memref<10000x128xf32, #tpu.memory_space<hbm>>
    tpu.wait_indirect_dma semaphore(%arg19 : memref<!tpu.dma_semaphore, #tpu.memory_space<semaphore_mem>>) src(%dma_wait3A_40 : memref<10000x128xf32, #tpu.memory_space<hbm>>) dst(%arg15 : memref<16x128xf32, #tpu.memory_space<vmem>>)
    "tpu.region"() ({
      %run_scoped3A = tpu.sem_alloc : memref<!tpu.dma_semaphore, #tpu.memory_space<semaphore_mem>>
      %dma_start3A_46 = arith.constant 0 : i32
      %dma_start3A_47 = arith.constant 0 : i32
      %dma_start3A_48 = tpu.memref_slice %arg16[%dma_start3A_46, %dma_start3A_47] : memref<10240x128xf32, #tpu.memory_space<vmem_shared>> -> memref<10240x128xf32, #tpu.memory_space<vmem_shared>>
      tpu.enqueue_indirect_dma source(%arg15 : memref<16x128xf32, #tpu.memory_space<vmem>>) target(%dma_start3A_48 : memref<10240x128xf32, #tpu.memory_space<vmem_shared>>) offsets(%arg12 : memref<16xi32, #tpu.memory_space<vmem>>) semaphore(%run_scoped3A : memref<!tpu.dma_semaphore, #tpu.memory_space<semaphore_mem>>) {add = true}
      %dma_wait3A_49 = arith.constant 0 : i32
      %dma_wait3A_50 = arith.constant 0 : i32
      %dma_wait3A_51 = tpu.memref_slice %arg16[%dma_wait3A_49, %dma_wait3A_50] : memref<10240x128xf32, #tpu.memory_space<vmem_shared>> -> memref<10240x128xf32, #tpu.memory_space<vmem_shared>>
      tpu.wait_indirect_dma semaphore(%run_scoped3A : memref<!tpu.dma_semaphore, #tpu.memory_space<semaphore_mem>>) src(%arg15 : memref<16x128xf32, #tpu.memory_space<vmem>>) dst(%dma_wait3A_51 : memref<10240x128xf32, #tpu.memory_space<vmem_shared>>)
      tpu.yield
    }) : () -> ()
    %barrier3A_41 = arith.constant 0 : index
    tpu.barrier barrier_id(%barrier3A_41)
    %mul3A_42 = arith.constant 640 : i32
    %mul3A_43 = arith.muli %arg1, %mul3A_42 : i32
    %mul3A_44 = arith.constant 640 : i32
    %mul3A_45 = arith.muli %arg1, %mul3A_44 : i32
    "tpu.region"() ({
      %run_scoped3A = tpu.sem_alloc : memref<!tpu.dma_semaphore, #tpu.memory_space<semaphore_mem>>
      %dma_start3A_46 = arith.constant 0 : i32
      %dma_start3A_47 = tpu.memref_slice %arg6[%arg0, %mul3A_45, %dma_start3A_46] : memref<2x10240x128xf32, #tpu.memory_space<hbm>> -> memref<1x640x128xf32, #tpu.memory_space<hbm>>
      %dma_start3A_48 = tpu.memref_squeeze %dma_start3A_47 : memref<1x640x128xf32, #tpu.memory_space<hbm>> -> memref<640x128xf32, #tpu.memory_space<hbm>>
      %dma_start3A_49 = arith.constant 0 : i32
      %dma_start3A_50 = tpu.memref_slice %arg16[%mul3A_43, %dma_start3A_49] : memref<10240x128xf32, #tpu.memory_space<vmem_shared>> -> memref<640x128xf32, #tpu.memory_space<vmem_shared>>
      tpu.enqueue_dma source(%dma_start3A_50 : memref<640x128xf32, #tpu.memory_space<vmem_shared>>) target(%dma_start3A_48 : memref<640x128xf32, #tpu.memory_space<hbm>>) target_semaphore(%run_scoped3A : memref<!tpu.dma_semaphore, #tpu.memory_space<semaphore_mem>>)
      %dma_wait3A_51 = arith.constant 0 : i32
      %dma_wait3A_52 = tpu.memref_slice %arg6[%arg0, %mul3A_45, %dma_wait3A_51] : memref<2x10240x128xf32, #tpu.memory_space<hbm>> -> memref<1x640x128xf32, #tpu.memory_space<hbm>>
      %dma_wait3A_53 = tpu.memref_squeeze %dma_wait3A_52 : memref<1x640x128xf32, #tpu.memory_space<hbm>> -> memref<640x128xf32, #tpu.memory_space<hbm>>
      %dma_wait3A_54 = arith.constant 0 : i32
      %dma_wait3A_55 = tpu.memref_slice %arg16[%mul3A_43, %dma_wait3A_54] : memref<10240x128xf32, #tpu.memory_space<vmem_shared>> -> memref<640x128xf32, #tpu.memory_space<vmem_shared>>
      tpu.wait_dma2 semaphore(%run_scoped3A : memref<!tpu.dma_semaphore, #tpu.memory_space<semaphore_mem>>) src(%dma_wait3A_55 : memref<640x128xf32, #tpu.memory_space<vmem_shared>>) dst(%dma_wait3A_53 : memref<640x128xf32, #tpu.memory_space<hbm>>)
      tpu.yield
    }) : () -> ()
    return
  }
}

#map = affine_map<(d0, d1) -> (0, 0)>
#map1 = affine_map<(d0, d1) -> (0)>
#map2 = affine_map<(d0, d1) -> (0, 0, 0)>
module attributes {stable_mosaic.version = 14 : i64} {
  func.func @_scat_body(%arg0: i32, %arg1: i32, %arg2: memref<10000x128xf32, #tpu.memory_space<hbm>>, %arg3: memref<320000xi32, #tpu.memory_space<hbm>>, %arg4: memref<320000xi32, #tpu.memory_space<hbm>>, %arg5: memref<640x128xf32, #tpu.memory_space<hbm>>, %arg6: memref<2x10240x128xf32, #tpu.memory_space<hbm>>, %arg7: memref<128xi32, #tpu.memory_space<vmem>>, %arg8: memref<128xi32, #tpu.memory_space<vmem>>, %arg9: memref<128xi32, #tpu.memory_space<vmem>>, %arg10: memref<128xi32, #tpu.memory_space<vmem>>, %arg11: memref<16xi32, #tpu.memory_space<vmem>>, %arg12: memref<16xi32, #tpu.memory_space<vmem>>, %arg13: memref<128x128xf32, #tpu.memory_space<vmem>>, %arg14: memref<128x128xf32, #tpu.memory_space<vmem>>, %arg15: memref<16x128xf32, #tpu.memory_space<vmem>>, %arg16: memref<10240x128xf32, #tpu.memory_space<vmem_shared>>, %arg17: memref<!tpu.dma_semaphore, #tpu.memory_space<semaphore_mem>>, %arg18: memref<!tpu.dma_semaphore, #tpu.memory_space<semaphore_mem>>, %arg19: memref<!tpu.dma_semaphore, #tpu.memory_space<semaphore_mem>>, %arg20: memref<!tpu.dma_semaphore, #tpu.memory_space<semaphore_mem>>) attributes {dimension_semantics = [#tpu.dimension_semantics<core_parallel>, #tpu.dimension_semantics<subcore_parallel>], iteration_bounds = array<i64: 2, 16>, scalar_prefetch = 0 : i64, scratch_operands = 14 : i64, tpu.core_type = #tpu.core_type<sc_vector_subcore>, window_params = [{transform_indices = #map}, {transform_indices = #map1}, {transform_indices = #map1}, {transform_indices = #map}, {transform_indices = #map2}]} {
    %mul3A = arith.constant 2 : i32
    %mul3A_0 = arith.muli %arg1, %mul3A : i32
    %add3A = arith.addi %mul3A_0, %arg0 : i32
    %mul3A_1 = arith.constant 10000 : i32
    %mul3A_2 = arith.muli %add3A, %mul3A_1 : i32
    %add3A_3 = arith.constant 0 : i32
    %add3A_4 = arith.addi %mul3A_2, %add3A_3 : i32
    %dma_start3A = tpu.memref_slice %arg3[%add3A_4] : memref<320000xi32, #tpu.memory_space<hbm>> -> memref<128xi32, #tpu.memory_space<hbm>>
    %dma_start3A_5 = tpu.memref_slice %arg3[%add3A_4] : memref<320000xi32, #tpu.memory_space<hbm>> -> memref<128xi32, #tpu.memory_space<hbm>>
    tpu.enqueue_dma source(%dma_start3A_5 : memref<128xi32, #tpu.memory_space<hbm>>) target(%arg7 : memref<128xi32, #tpu.memory_space<vmem>>) target_semaphore(%arg17 : memref<!tpu.dma_semaphore, #tpu.memory_space<semaphore_mem>>)
    %add3A_6 = arith.constant 0 : i32
    %add3A_7 = arith.addi %mul3A_2, %add3A_6 : i32
    %dma_start3A_8 = tpu.memref_slice %arg4[%add3A_7] : memref<320000xi32, #tpu.memory_space<hbm>> -> memref<128xi32, #tpu.memory_space<hbm>>
    %dma_start3A_9 = tpu.memref_slice %arg4[%add3A_7] : memref<320000xi32, #tpu.memory_space<hbm>> -> memref<128xi32, #tpu.memory_space<hbm>>
    tpu.enqueue_dma source(%dma_start3A_9 : memref<128xi32, #tpu.memory_space<hbm>>) target(%arg8 : memref<128xi32, #tpu.memory_space<vmem>>) target_semaphore(%arg17 : memref<!tpu.dma_semaphore, #tpu.memory_space<semaphore_mem>>)
    %mul3A_10 = arith.constant 640 : i32
    %mul3A_11 = arith.muli %arg1, %mul3A_10 : i32
    "tpu.region"() ({
      %run_scoped3A = tpu.sem_alloc : memref<!tpu.dma_semaphore, #tpu.memory_space<semaphore_mem>>
      %dma_start3A_46 = arith.constant 0 : i32
      %dma_start3A_47 = tpu.memref_slice %arg16[%mul3A_11, %dma_start3A_46] : memref<10240x128xf32, #tpu.memory_space<vmem_shared>> -> memref<640x128xf32, #tpu.memory_space<vmem_shared>>
      tpu.enqueue_dma source(%arg5 : memref<640x128xf32, #tpu.memory_space<hbm>>) target(%dma_start3A_47 : memref<640x128xf32, #tpu.memory_space<vmem_shared>>) target_semaphore(%run_scoped3A : memref<!tpu.dma_semaphore, #tpu.memory_space<semaphore_mem>>)
      %dma_wait3A_48 = arith.constant 0 : i32
      %dma_wait3A_49 = tpu.memref_slice %arg16[%mul3A_11, %dma_wait3A_48] : memref<10240x128xf32, #tpu.memory_space<vmem_shared>> -> memref<640x128xf32, #tpu.memory_space<vmem_shared>>
      tpu.wait_dma2 semaphore(%run_scoped3A : memref<!tpu.dma_semaphore, #tpu.memory_space<semaphore_mem>>) src(%arg5 : memref<640x128xf32, #tpu.memory_space<hbm>>) dst(%dma_wait3A_49 : memref<640x128xf32, #tpu.memory_space<vmem_shared>>)
      tpu.yield
    }) : () -> ()
    %barrier3A = arith.constant 0 : index
    tpu.barrier barrier_id(%barrier3A)
    %scan3A = arith.constant 0 : i32
    %scan3A_12 = arith.constant 0 : i32
    %scan3A_13 = arith.constant 39 : i32
    %scan3A_14 = arith.addi %scan3A_12, %scan3A_13 : i32
    %scan3A_15 = arith.constant 1 : i32
    scf.for %scan3A_46 = %scan3A_12 to %scan3A_14 step %scan3A_15  : i32 {
      %mul3A_47 = arith.constant 2 : i32
      %mul3A_48 = arith.muli %mul3A_47, %scan3A_46 : i32
      %mul3A_49 = arith.constant 128 : i32
      %mul3A_50 = arith.muli %mul3A_48, %mul3A_49 : i32
      %add3A_51 = arith.addi %mul3A_2, %mul3A_50 : i32
      %dma_wait3A_52 = tpu.memref_slice %arg3[%add3A_51] : memref<320000xi32, #tpu.memory_space<hbm>> -> memref<128xi32, #tpu.memory_space<hbm>>
      %dma_wait3A_53 = tpu.memref_slice %arg3[%add3A_51] : memref<320000xi32, #tpu.memory_space<hbm>> -> memref<128xi32, #tpu.memory_space<hbm>>
      tpu.wait_dma2 semaphore(%arg17 : memref<!tpu.dma_semaphore, #tpu.memory_space<semaphore_mem>>) src(%dma_wait3A_53 : memref<128xi32, #tpu.memory_space<hbm>>) dst(%arg7 : memref<128xi32, #tpu.memory_space<vmem>>)
      %mul3A_54 = arith.constant 128 : i32
      %mul3A_55 = arith.muli %mul3A_48, %mul3A_54 : i32
      %add3A_56 = arith.addi %mul3A_2, %mul3A_55 : i32
      %dma_wait3A_57 = tpu.memref_slice %arg4[%add3A_56] : memref<320000xi32, #tpu.memory_space<hbm>> -> memref<128xi32, #tpu.memory_space<hbm>>
      %dma_wait3A_58 = tpu.memref_slice %arg4[%add3A_56] : memref<320000xi32, #tpu.memory_space<hbm>> -> memref<128xi32, #tpu.memory_space<hbm>>
      tpu.wait_dma2 semaphore(%arg17 : memref<!tpu.dma_semaphore, #tpu.memory_space<semaphore_mem>>) src(%dma_wait3A_58 : memref<128xi32, #tpu.memory_space<hbm>>) dst(%arg8 : memref<128xi32, #tpu.memory_space<vmem>>)
      %dma_start3A_59 = arith.constant 0 : i32
      %dma_start3A_60 = arith.constant 0 : i32
      %dma_start3A_61 = tpu.memref_slice %arg2[%dma_start3A_59, %dma_start3A_60] : memref<10000x128xf32, #tpu.memory_space<hbm>> -> memref<10000x128xf32, #tpu.memory_space<hbm>>
      tpu.enqueue_indirect_dma source(%dma_start3A_61 : memref<10000x128xf32, #tpu.memory_space<hbm>>) target(%arg13 : memref<128x128xf32, #tpu.memory_space<vmem>>) offsets(%arg7 : memref<128xi32, #tpu.memory_space<vmem>>) semaphore(%arg19 : memref<!tpu.dma_semaphore, #tpu.memory_space<semaphore_mem>>)
      %gt3A = arith.constant 0 : i32
      %gt3A_62 = arith.cmpi sgt, %scan3A_46, %gt3A : i32
      %convert_element_type3A = arith.extui %gt3A_62 : i1 to i32
      %cond3A = arith.constant 0 : i32
      %cond3A_63 = arith.cmpi ne, %convert_element_type3A, %cond3A : i32
      scf.if %cond3A_63 {
        %dma_wait3A_100 = arith.constant 0 : i32
        %dma_wait3A_101 = arith.constant 0 : i32
        %dma_wait3A_102 = tpu.memref_slice %arg2[%dma_wait3A_100, %dma_wait3A_101] : memref<10000x128xf32, #tpu.memory_space<hbm>> -> memref<10000x128xf32, #tpu.memory_space<hbm>>
        tpu.wait_indirect_dma semaphore(%arg20 : memref<!tpu.dma_semaphore, #tpu.memory_space<semaphore_mem>>) src(%dma_wait3A_102 : memref<10000x128xf32, #tpu.memory_space<hbm>>) dst(%arg14 : memref<128x128xf32, #tpu.memory_space<vmem>>)
        "tpu.region"() ({
          %run_scoped3A = tpu.sem_alloc : memref<!tpu.dma_semaphore, #tpu.memory_space<semaphore_mem>>
          %dma_start3A_103 = arith.constant 0 : i32
          %dma_start3A_104 = arith.constant 0 : i32
          %dma_start3A_105 = tpu.memref_slice %arg16[%dma_start3A_103, %dma_start3A_104] : memref<10240x128xf32, #tpu.memory_space<vmem_shared>> -> memref<10240x128xf32, #tpu.memory_space<vmem_shared>>
          tpu.enqueue_indirect_dma source(%arg14 : memref<128x128xf32, #tpu.memory_space<vmem>>) target(%dma_start3A_105 : memref<10240x128xf32, #tpu.memory_space<vmem_shared>>) offsets(%arg10 : memref<128xi32, #tpu.memory_space<vmem>>) semaphore(%run_scoped3A : memref<!tpu.dma_semaphore, #tpu.memory_space<semaphore_mem>>) {add = true}
          %dma_wait3A_106 = arith.constant 0 : i32
          %dma_wait3A_107 = arith.constant 0 : i32
          %dma_wait3A_108 = tpu.memref_slice %arg16[%dma_wait3A_106, %dma_wait3A_107] : memref<10240x128xf32, #tpu.memory_space<vmem_shared>> -> memref<10240x128xf32, #tpu.memory_space<vmem_shared>>
          tpu.wait_indirect_dma semaphore(%run_scoped3A : memref<!tpu.dma_semaphore, #tpu.memory_space<semaphore_mem>>) src(%arg14 : memref<128x128xf32, #tpu.memory_space<vmem>>) dst(%dma_wait3A_108 : memref<10240x128xf32, #tpu.memory_space<vmem_shared>>)
          tpu.yield
        }) : () -> ()
      } else {
      }
      %add3A_64 = arith.constant 1 : i32
      %add3A_65 = arith.addi %mul3A_48, %add3A_64 : i32
      %mul3A_66 = arith.constant 128 : i32
      %mul3A_67 = arith.muli %add3A_65, %mul3A_66 : i32
      %add3A_68 = arith.addi %mul3A_2, %mul3A_67 : i32
      %dma_start3A_69 = tpu.memref_slice %arg3[%add3A_68] : memref<320000xi32, #tpu.memory_space<hbm>> -> memref<128xi32, #tpu.memory_space<hbm>>
      %dma_start3A_70 = tpu.memref_slice %arg3[%add3A_68] : memref<320000xi32, #tpu.memory_space<hbm>> -> memref<128xi32, #tpu.memory_space<hbm>>
      tpu.enqueue_dma source(%dma_start3A_70 : memref<128xi32, #tpu.memory_space<hbm>>) target(%arg9 : memref<128xi32, #tpu.memory_space<vmem>>) target_semaphore(%arg18 : memref<!tpu.dma_semaphore, #tpu.memory_space<semaphore_mem>>)
      %mul3A_71 = arith.constant 128 : i32
      %mul3A_72 = arith.muli %add3A_65, %mul3A_71 : i32
      %add3A_73 = arith.addi %mul3A_2, %mul3A_72 : i32
      %dma_start3A_74 = tpu.memref_slice %arg4[%add3A_73] : memref<320000xi32, #tpu.memory_space<hbm>> -> memref<128xi32, #tpu.memory_space<hbm>>
      %dma_start3A_75 = tpu.memref_slice %arg4[%add3A_73] : memref<320000xi32, #tpu.memory_space<hbm>> -> memref<128xi32, #tpu.memory_space<hbm>>
      tpu.enqueue_dma source(%dma_start3A_75 : memref<128xi32, #tpu.memory_space<hbm>>) target(%arg10 : memref<128xi32, #tpu.memory_space<vmem>>) target_semaphore(%arg18 : memref<!tpu.dma_semaphore, #tpu.memory_space<semaphore_mem>>)
      %add3A_76 = arith.constant 1 : i32
      %add3A_77 = arith.addi %mul3A_48, %add3A_76 : i32
      %mul3A_78 = arith.constant 128 : i32
      %mul3A_79 = arith.muli %add3A_77, %mul3A_78 : i32
      %add3A_80 = arith.addi %mul3A_2, %mul3A_79 : i32
      %dma_wait3A_81 = tpu.memref_slice %arg3[%add3A_80] : memref<320000xi32, #tpu.memory_space<hbm>> -> memref<128xi32, #tpu.memory_space<hbm>>
      %dma_wait3A_82 = tpu.memref_slice %arg3[%add3A_80] : memref<320000xi32, #tpu.memory_space<hbm>> -> memref<128xi32, #tpu.memory_space<hbm>>
      tpu.wait_dma2 semaphore(%arg18 : memref<!tpu.dma_semaphore, #tpu.memory_space<semaphore_mem>>) src(%dma_wait3A_82 : memref<128xi32, #tpu.memory_space<hbm>>) dst(%arg9 : memref<128xi32, #tpu.memory_space<vmem>>)
      %mul3A_83 = arith.constant 128 : i32
      %mul3A_84 = arith.muli %add3A_77, %mul3A_83 : i32
      %add3A_85 = arith.addi %mul3A_2, %mul3A_84 : i32
      %dma_wait3A_86 = tpu.memref_slice %arg4[%add3A_85] : memref<320000xi32, #tpu.memory_space<hbm>> -> memref<128xi32, #tpu.memory_space<hbm>>
      %dma_wait3A_87 = tpu.memref_slice %arg4[%add3A_85] : memref<320000xi32, #tpu.memory_space<hbm>> -> memref<128xi32, #tpu.memory_space<hbm>>
      tpu.wait_dma2 semaphore(%arg18 : memref<!tpu.dma_semaphore, #tpu.memory_space<semaphore_mem>>) src(%dma_wait3A_87 : memref<128xi32, #tpu.memory_space<hbm>>) dst(%arg10 : memref<128xi32, #tpu.memory_space<vmem>>)
      %dma_start3A_88 = arith.constant 0 : i32
      %dma_start3A_89 = arith.constant 0 : i32
      %dma_start3A_90 = tpu.memref_slice %arg2[%dma_start3A_88, %dma_start3A_89] : memref<10000x128xf32, #tpu.memory_space<hbm>> -> memref<10000x128xf32, #tpu.memory_space<hbm>>
      tpu.enqueue_indirect_dma source(%dma_start3A_90 : memref<10000x128xf32, #tpu.memory_space<hbm>>) target(%arg14 : memref<128x128xf32, #tpu.memory_space<vmem>>) offsets(%arg9 : memref<128xi32, #tpu.memory_space<vmem>>) semaphore(%arg20 : memref<!tpu.dma_semaphore, #tpu.memory_space<semaphore_mem>>)
      %dma_wait3A_91 = arith.constant 0 : i32
      %dma_wait3A_92 = arith.constant 0 : i32
      %dma_wait3A_93 = tpu.memref_slice %arg2[%dma_wait3A_91, %dma_wait3A_92] : memref<10000x128xf32, #tpu.memory_space<hbm>> -> memref<10000x128xf32, #tpu.memory_space<hbm>>
      tpu.wait_indirect_dma semaphore(%arg19 : memref<!tpu.dma_semaphore, #tpu.memory_space<semaphore_mem>>) src(%dma_wait3A_93 : memref<10000x128xf32, #tpu.memory_space<hbm>>) dst(%arg13 : memref<128x128xf32, #tpu.memory_space<vmem>>)
      "tpu.region"() ({
        %run_scoped3A = tpu.sem_alloc : memref<!tpu.dma_semaphore, #tpu.memory_space<semaphore_mem>>
        %dma_start3A_100 = arith.constant 0 : i32
        %dma_start3A_101 = arith.constant 0 : i32
        %dma_start3A_102 = tpu.memref_slice %arg16[%dma_start3A_100, %dma_start3A_101] : memref<10240x128xf32, #tpu.memory_space<vmem_shared>> -> memref<10240x128xf32, #tpu.memory_space<vmem_shared>>
        tpu.enqueue_indirect_dma source(%arg13 : memref<128x128xf32, #tpu.memory_space<vmem>>) target(%dma_start3A_102 : memref<10240x128xf32, #tpu.memory_space<vmem_shared>>) offsets(%arg8 : memref<128xi32, #tpu.memory_space<vmem>>) semaphore(%run_scoped3A : memref<!tpu.dma_semaphore, #tpu.memory_space<semaphore_mem>>) {add = true}
        %dma_wait3A_103 = arith.constant 0 : i32
        %dma_wait3A_104 = arith.constant 0 : i32
        %dma_wait3A_105 = tpu.memref_slice %arg16[%dma_wait3A_103, %dma_wait3A_104] : memref<10240x128xf32, #tpu.memory_space<vmem_shared>> -> memref<10240x128xf32, #tpu.memory_space<vmem_shared>>
        tpu.wait_indirect_dma semaphore(%run_scoped3A : memref<!tpu.dma_semaphore, #tpu.memory_space<semaphore_mem>>) src(%arg13 : memref<128x128xf32, #tpu.memory_space<vmem>>) dst(%dma_wait3A_105 : memref<10240x128xf32, #tpu.memory_space<vmem_shared>>)
        tpu.yield
      }) : () -> ()
      %add3A_94 = arith.constant 1 : i32
      %add3A_95 = arith.addi %scan3A_46, %add3A_94 : i32
      %lt3A = arith.constant 39 : i32
      %lt3A_96 = arith.cmpi slt, %add3A_95, %lt3A : i32
      %convert_element_type3A_97 = arith.extui %lt3A_96 : i1 to i32
      %cond3A_98 = arith.constant 0 : i32
      %cond3A_99 = arith.cmpi ne, %convert_element_type3A_97, %cond3A_98 : i32
      scf.if %cond3A_99 {
        %add3A_100 = arith.constant 2 : i32
        %add3A_101 = arith.addi %mul3A_48, %add3A_100 : i32
        %mul3A_102 = arith.constant 128 : i32
        %mul3A_103 = arith.muli %add3A_101, %mul3A_102 : i32
        %add3A_104 = arith.addi %mul3A_2, %mul3A_103 : i32
        %dma_start3A_105 = tpu.memref_slice %arg3[%add3A_104] : memref<320000xi32, #tpu.memory_space<hbm>> -> memref<128xi32, #tpu.memory_space<hbm>>
        %dma_start3A_106 = tpu.memref_slice %arg3[%add3A_104] : memref<320000xi32, #tpu.memory_space<hbm>> -> memref<128xi32, #tpu.memory_space<hbm>>
        tpu.enqueue_dma source(%dma_start3A_106 : memref<128xi32, #tpu.memory_space<hbm>>) target(%arg7 : memref<128xi32, #tpu.memory_space<vmem>>) target_semaphore(%arg17 : memref<!tpu.dma_semaphore, #tpu.memory_space<semaphore_mem>>)
        %mul3A_107 = arith.constant 128 : i32
        %mul3A_108 = arith.muli %add3A_101, %mul3A_107 : i32
        %add3A_109 = arith.addi %mul3A_2, %mul3A_108 : i32
        %dma_start3A_110 = tpu.memref_slice %arg4[%add3A_109] : memref<320000xi32, #tpu.memory_space<hbm>> -> memref<128xi32, #tpu.memory_space<hbm>>
        %dma_start3A_111 = tpu.memref_slice %arg4[%add3A_109] : memref<320000xi32, #tpu.memory_space<hbm>> -> memref<128xi32, #tpu.memory_space<hbm>>
        tpu.enqueue_dma source(%dma_start3A_111 : memref<128xi32, #tpu.memory_space<hbm>>) target(%arg8 : memref<128xi32, #tpu.memory_space<vmem>>) target_semaphore(%arg17 : memref<!tpu.dma_semaphore, #tpu.memory_space<semaphore_mem>>)
      } else {
      }
    }
    %scan3A_16 = arith.constant 39 : i32
    %add3A_17 = arith.constant 9984 : i32
    %add3A_18 = arith.addi %mul3A_2, %add3A_17 : i32
    %dma_start3A_19 = tpu.memref_slice %arg3[%add3A_18] : memref<320000xi32, #tpu.memory_space<hbm>> -> memref<16xi32, #tpu.memory_space<hbm>>
    %dma_start3A_20 = tpu.memref_slice %arg3[%add3A_18] : memref<320000xi32, #tpu.memory_space<hbm>> -> memref<16xi32, #tpu.memory_space<hbm>>
    tpu.enqueue_dma source(%dma_start3A_20 : memref<16xi32, #tpu.memory_space<hbm>>) target(%arg11 : memref<16xi32, #tpu.memory_space<vmem>>) target_semaphore(%arg17 : memref<!tpu.dma_semaphore, #tpu.memory_space<semaphore_mem>>)
    %add3A_21 = arith.constant 9984 : i32
    %add3A_22 = arith.addi %mul3A_2, %add3A_21 : i32
    %dma_start3A_23 = tpu.memref_slice %arg4[%add3A_22] : memref<320000xi32, #tpu.memory_space<hbm>> -> memref<16xi32, #tpu.memory_space<hbm>>
    %dma_start3A_24 = tpu.memref_slice %arg4[%add3A_22] : memref<320000xi32, #tpu.memory_space<hbm>> -> memref<16xi32, #tpu.memory_space<hbm>>
    tpu.enqueue_dma source(%dma_start3A_24 : memref<16xi32, #tpu.memory_space<hbm>>) target(%arg12 : memref<16xi32, #tpu.memory_space<vmem>>) target_semaphore(%arg17 : memref<!tpu.dma_semaphore, #tpu.memory_space<semaphore_mem>>)
    %dma_wait3A = arith.constant 0 : i32
    %dma_wait3A_25 = arith.constant 0 : i32
    %dma_wait3A_26 = tpu.memref_slice %arg2[%dma_wait3A, %dma_wait3A_25] : memref<10000x128xf32, #tpu.memory_space<hbm>> -> memref<10000x128xf32, #tpu.memory_space<hbm>>
    tpu.wait_indirect_dma semaphore(%arg20 : memref<!tpu.dma_semaphore, #tpu.memory_space<semaphore_mem>>) src(%dma_wait3A_26 : memref<10000x128xf32, #tpu.memory_space<hbm>>) dst(%arg14 : memref<128x128xf32, #tpu.memory_space<vmem>>)
    "tpu.region"() ({
      %run_scoped3A = tpu.sem_alloc : memref<!tpu.dma_semaphore, #tpu.memory_space<semaphore_mem>>
      %dma_start3A_46 = arith.constant 0 : i32
      %dma_start3A_47 = arith.constant 0 : i32
      %dma_start3A_48 = tpu.memref_slice %arg16[%dma_start3A_46, %dma_start3A_47] : memref<10240x128xf32, #tpu.memory_space<vmem_shared>> -> memref<10240x128xf32, #tpu.memory_space<vmem_shared>>
      tpu.enqueue_indirect_dma source(%arg14 : memref<128x128xf32, #tpu.memory_space<vmem>>) target(%dma_start3A_48 : memref<10240x128xf32, #tpu.memory_space<vmem_shared>>) offsets(%arg10 : memref<128xi32, #tpu.memory_space<vmem>>) semaphore(%run_scoped3A : memref<!tpu.dma_semaphore, #tpu.memory_space<semaphore_mem>>) {add = true}
      %dma_wait3A_49 = arith.constant 0 : i32
      %dma_wait3A_50 = arith.constant 0 : i32
      %dma_wait3A_51 = tpu.memref_slice %arg16[%dma_wait3A_49, %dma_wait3A_50] : memref<10240x128xf32, #tpu.memory_space<vmem_shared>> -> memref<10240x128xf32, #tpu.memory_space<vmem_shared>>
      tpu.wait_indirect_dma semaphore(%run_scoped3A : memref<!tpu.dma_semaphore, #tpu.memory_space<semaphore_mem>>) src(%arg14 : memref<128x128xf32, #tpu.memory_space<vmem>>) dst(%dma_wait3A_51 : memref<10240x128xf32, #tpu.memory_space<vmem_shared>>)
      tpu.yield
    }) : () -> ()
    %add3A_27 = arith.constant 9984 : i32
    %add3A_28 = arith.addi %mul3A_2, %add3A_27 : i32
    %dma_wait3A_29 = tpu.memref_slice %arg3[%add3A_28] : memref<320000xi32, #tpu.memory_space<hbm>> -> memref<16xi32, #tpu.memory_space<hbm>>
    %dma_wait3A_30 = tpu.memref_slice %arg3[%add3A_28] : memref<320000xi32, #tpu.memory_space<hbm>> -> memref<16xi32, #tpu.memory_space<hbm>>
    tpu.wait_dma2 semaphore(%arg17 : memref<!tpu.dma_semaphore, #tpu.memory_space<semaphore_mem>>) src(%dma_wait3A_30 : memref<16xi32, #tpu.memory_space<hbm>>) dst(%arg11 : memref<16xi32, #tpu.memory_space<vmem>>)
    %add3A_31 = arith.constant 9984 : i32
    %add3A_32 = arith.addi %mul3A_2, %add3A_31 : i32
    %dma_wait3A_33 = tpu.memref_slice %arg4[%add3A_32] : memref<320000xi32, #tpu.memory_space<hbm>> -> memref<16xi32, #tpu.memory_space<hbm>>
    %dma_wait3A_34 = tpu.memref_slice %arg4[%add3A_32] : memref<320000xi32, #tpu.memory_space<hbm>> -> memref<16xi32, #tpu.memory_space<hbm>>
    tpu.wait_dma2 semaphore(%arg17 : memref<!tpu.dma_semaphore, #tpu.memory_space<semaphore_mem>>) src(%dma_wait3A_34 : memref<16xi32, #tpu.memory_space<hbm>>) dst(%arg12 : memref<16xi32, #tpu.memory_space<vmem>>)
    %dma_start3A_35 = arith.constant 0 : i32
    %dma_start3A_36 = arith.constant 0 : i32
    %dma_start3A_37 = tpu.memref_slice %arg2[%dma_start3A_35, %dma_start3A_36] : memref<10000x128xf32, #tpu.memory_space<hbm>> -> memref<10000x128xf32, #tpu.memory_space<hbm>>
    tpu.enqueue_indirect_dma source(%dma_start3A_37 : memref<10000x128xf32, #tpu.memory_space<hbm>>) target(%arg15 : memref<16x128xf32, #tpu.memory_space<vmem>>) offsets(%arg11 : memref<16xi32, #tpu.memory_space<vmem>>) semaphore(%arg19 : memref<!tpu.dma_semaphore, #tpu.memory_space<semaphore_mem>>)
    %dma_wait3A_38 = arith.constant 0 : i32
    %dma_wait3A_39 = arith.constant 0 : i32
    %dma_wait3A_40 = tpu.memref_slice %arg2[%dma_wait3A_38, %dma_wait3A_39] : memref<10000x128xf32, #tpu.memory_space<hbm>> -> memref<10000x128xf32, #tpu.memory_space<hbm>>
    tpu.wait_indirect_dma semaphore(%arg19 : memref<!tpu.dma_semaphore, #tpu.memory_space<semaphore_mem>>) src(%dma_wait3A_40 : memref<10000x128xf32, #tpu.memory_space<hbm>>) dst(%arg15 : memref<16x128xf32, #tpu.memory_space<vmem>>)
    "tpu.region"() ({
      %run_scoped3A = tpu.sem_alloc : memref<!tpu.dma_semaphore, #tpu.memory_space<semaphore_mem>>
      %dma_start3A_46 = arith.constant 0 : i32
      %dma_start3A_47 = arith.constant 0 : i32
      %dma_start3A_48 = tpu.memref_slice %arg16[%dma_start3A_46, %dma_start3A_47] : memref<10240x128xf32, #tpu.memory_space<vmem_shared>> -> memref<10240x128xf32, #tpu.memory_space<vmem_shared>>
      tpu.enqueue_indirect_dma source(%arg15 : memref<16x128xf32, #tpu.memory_space<vmem>>) target(%dma_start3A_48 : memref<10240x128xf32, #tpu.memory_space<vmem_shared>>) offsets(%arg12 : memref<16xi32, #tpu.memory_space<vmem>>) semaphore(%run_scoped3A : memref<!tpu.dma_semaphore, #tpu.memory_space<semaphore_mem>>) {add = true}
      %dma_wait3A_49 = arith.constant 0 : i32
      %dma_wait3A_50 = arith.constant 0 : i32
      %dma_wait3A_51 = tpu.memref_slice %arg16[%dma_wait3A_49, %dma_wait3A_50] : memref<10240x128xf32, #tpu.memory_space<vmem_shared>> -> memref<10240x128xf32, #tpu.memory_space<vmem_shared>>
      tpu.wait_indirect_dma semaphore(%run_scoped3A : memref<!tpu.dma_semaphore, #tpu.memory_space<semaphore_mem>>) src(%arg15 : memref<16x128xf32, #tpu.memory_space<vmem>>) dst(%dma_wait3A_51 : memref<10240x128xf32, #tpu.memory_space<vmem_shared>>)
      tpu.yield
    }) : () -> ()
    %barrier3A_41 = arith.constant 0 : index
    tpu.barrier barrier_id(%barrier3A_41)
    %mul3A_42 = arith.constant 640 : i32
    %mul3A_43 = arith.muli %arg1, %mul3A_42 : i32
    %mul3A_44 = arith.constant 640 : i32
    %mul3A_45 = arith.muli %arg1, %mul3A_44 : i32
    "tpu.region"() ({
      %run_scoped3A = tpu.sem_alloc : memref<!tpu.dma_semaphore, #tpu.memory_space<semaphore_mem>>
      %dma_start3A_46 = arith.constant 0 : i32
      %dma_start3A_47 = tpu.memref_slice %arg6[%arg0, %mul3A_45, %dma_start3A_46] : memref<2x10240x128xf32, #tpu.memory_space<hbm>> -> memref<1x640x128xf32, #tpu.memory_space<hbm>>
      %dma_start3A_48 = tpu.memref_squeeze %dma_start3A_47 : memref<1x640x128xf32, #tpu.memory_space<hbm>> -> memref<640x128xf32, #tpu.memory_space<hbm>>
      %dma_start3A_49 = arith.constant 0 : i32
      %dma_start3A_50 = tpu.memref_slice %arg16[%mul3A_43, %dma_start3A_49] : memref<10240x128xf32, #tpu.memory_space<vmem_shared>> -> memref<640x128xf32, #tpu.memory_space<vmem_shared>>
      tpu.enqueue_dma source(%dma_start3A_50 : memref<640x128xf32, #tpu.memory_space<vmem_shared>>) target(%dma_start3A_48 : memref<640x128xf32, #tpu.memory_space<hbm>>) target_semaphore(%run_scoped3A : memref<!tpu.dma_semaphore, #tpu.memory_space<semaphore_mem>>)
      %dma_wait3A_51 = arith.constant 0 : i32
      %dma_wait3A_52 = tpu.memref_slice %arg6[%arg0, %mul3A_45, %dma_wait3A_51] : memref<2x10240x128xf32, #tpu.memory_space<hbm>> -> memref<1x640x128xf32, #tpu.memory_space<hbm>>
      %dma_wait3A_53 = tpu.memref_squeeze %dma_wait3A_52 : memref<1x640x128xf32, #tpu.memory_space<hbm>> -> memref<640x128xf32, #tpu.memory_space<hbm>>
      %dma_wait3A_54 = arith.constant 0 : i32
      %dma_wait3A_55 = tpu.memref_slice %arg16[%mul3A_43, %dma_wait3A_54] : memref<10240x128xf32, #tpu.memory_space<vmem_shared>> -> memref<640x128xf32, #tpu.memory_space<vmem_shared>>
      tpu.wait_dma2 semaphore(%run_scoped3A : memref<!tpu.dma_semaphore, #tpu.memory_space<semaphore_mem>>) src(%dma_wait3A_55 : memref<640x128xf32, #tpu.memory_space<vmem_shared>>) dst(%dma_wait3A_53 : memref<640x128xf32, #tpu.memory_space<hbm>>)
      tpu.yield
    }) : () -> ()
    return
  }
}

#map = affine_map<(d0, d1) -> (0, 0)>
#map1 = affine_map<(d0, d1) -> (0)>
#map2 = affine_map<(d0, d1) -> (0, 0, 0)>
module attributes {stable_mosaic.version = 14 : i64} {
  func.func @_scat_body(%arg0: i32, %arg1: i32, %arg2: memref<10000x128xf32, #tpu.memory_space<hbm>>, %arg3: memref<320000xi32, #tpu.memory_space<hbm>>, %arg4: memref<320000xi32, #tpu.memory_space<hbm>>, %arg5: memref<640x128xf32, #tpu.memory_space<hbm>>, %arg6: memref<2x10240x128xf32, #tpu.memory_space<hbm>>, %arg7: memref<128xi32, #tpu.memory_space<vmem>>, %arg8: memref<128xi32, #tpu.memory_space<vmem>>, %arg9: memref<128xi32, #tpu.memory_space<vmem>>, %arg10: memref<128xi32, #tpu.memory_space<vmem>>, %arg11: memref<16xi32, #tpu.memory_space<vmem>>, %arg12: memref<16xi32, #tpu.memory_space<vmem>>, %arg13: memref<128x128xf32, #tpu.memory_space<vmem>>, %arg14: memref<128x128xf32, #tpu.memory_space<vmem>>, %arg15: memref<16x128xf32, #tpu.memory_space<vmem>>, %arg16: memref<10240x128xf32, #tpu.memory_space<vmem_shared>>, %arg17: memref<!tpu.dma_semaphore, #tpu.memory_space<semaphore_mem>>, %arg18: memref<!tpu.dma_semaphore, #tpu.memory_space<semaphore_mem>>, %arg19: memref<!tpu.dma_semaphore, #tpu.memory_space<semaphore_mem>>, %arg20: memref<!tpu.dma_semaphore, #tpu.memory_space<semaphore_mem>>) attributes {dimension_semantics = [#tpu.dimension_semantics<core_parallel>, #tpu.dimension_semantics<subcore_parallel>], iteration_bounds = array<i64: 2, 16>, scalar_prefetch = 0 : i64, scratch_operands = 14 : i64, tpu.core_type = #tpu.core_type<sc_vector_subcore>, window_params = [{transform_indices = #map}, {transform_indices = #map1}, {transform_indices = #map1}, {transform_indices = #map}, {transform_indices = #map2}]} {
    %mul3A = arith.constant 2 : i32
    %mul3A_0 = arith.muli %arg1, %mul3A : i32
    %add3A = arith.addi %mul3A_0, %arg0 : i32
    %mul3A_1 = arith.constant 10000 : i32
    %mul3A_2 = arith.muli %add3A, %mul3A_1 : i32
    %add3A_3 = arith.constant 0 : i32
    %add3A_4 = arith.addi %mul3A_2, %add3A_3 : i32
    %dma_start3A = tpu.memref_slice %arg3[%add3A_4] : memref<320000xi32, #tpu.memory_space<hbm>> -> memref<128xi32, #tpu.memory_space<hbm>>
    %dma_start3A_5 = tpu.memref_slice %arg3[%add3A_4] : memref<320000xi32, #tpu.memory_space<hbm>> -> memref<128xi32, #tpu.memory_space<hbm>>
    tpu.enqueue_dma source(%dma_start3A_5 : memref<128xi32, #tpu.memory_space<hbm>>) target(%arg7 : memref<128xi32, #tpu.memory_space<vmem>>) target_semaphore(%arg17 : memref<!tpu.dma_semaphore, #tpu.memory_space<semaphore_mem>>)
    %add3A_6 = arith.constant 0 : i32
    %add3A_7 = arith.addi %mul3A_2, %add3A_6 : i32
    %dma_start3A_8 = tpu.memref_slice %arg4[%add3A_7] : memref<320000xi32, #tpu.memory_space<hbm>> -> memref<128xi32, #tpu.memory_space<hbm>>
    %dma_start3A_9 = tpu.memref_slice %arg4[%add3A_7] : memref<320000xi32, #tpu.memory_space<hbm>> -> memref<128xi32, #tpu.memory_space<hbm>>
    tpu.enqueue_dma source(%dma_start3A_9 : memref<128xi32, #tpu.memory_space<hbm>>) target(%arg8 : memref<128xi32, #tpu.memory_space<vmem>>) target_semaphore(%arg17 : memref<!tpu.dma_semaphore, #tpu.memory_space<semaphore_mem>>)
    %mul3A_10 = arith.constant 640 : i32
    %mul3A_11 = arith.muli %arg1, %mul3A_10 : i32
    "tpu.region"() ({
      %run_scoped3A = tpu.sem_alloc : memref<!tpu.dma_semaphore, #tpu.memory_space<semaphore_mem>>
      %dma_start3A_46 = arith.constant 0 : i32
      %dma_start3A_47 = tpu.memref_slice %arg16[%mul3A_11, %dma_start3A_46] : memref<10240x128xf32, #tpu.memory_space<vmem_shared>> -> memref<640x128xf32, #tpu.memory_space<vmem_shared>>
      tpu.enqueue_dma source(%arg5 : memref<640x128xf32, #tpu.memory_space<hbm>>) target(%dma_start3A_47 : memref<640x128xf32, #tpu.memory_space<vmem_shared>>) target_semaphore(%run_scoped3A : memref<!tpu.dma_semaphore, #tpu.memory_space<semaphore_mem>>)
      %dma_wait3A_48 = arith.constant 0 : i32
      %dma_wait3A_49 = tpu.memref_slice %arg16[%mul3A_11, %dma_wait3A_48] : memref<10240x128xf32, #tpu.memory_space<vmem_shared>> -> memref<640x128xf32, #tpu.memory_space<vmem_shared>>
      tpu.wait_dma2 semaphore(%run_scoped3A : memref<!tpu.dma_semaphore, #tpu.memory_space<semaphore_mem>>) src(%arg5 : memref<640x128xf32, #tpu.memory_space<hbm>>) dst(%dma_wait3A_49 : memref<640x128xf32, #tpu.memory_space<vmem_shared>>)
      tpu.yield
    }) : () -> ()
    %barrier3A = arith.constant 0 : index
    tpu.barrier barrier_id(%barrier3A)
    %scan3A = arith.constant 0 : i32
    %scan3A_12 = arith.constant 0 : i32
    %scan3A_13 = arith.constant 39 : i32
    %scan3A_14 = arith.addi %scan3A_12, %scan3A_13 : i32
    %scan3A_15 = arith.constant 1 : i32
    scf.for %scan3A_46 = %scan3A_12 to %scan3A_14 step %scan3A_15  : i32 {
      %mul3A_47 = arith.constant 2 : i32
      %mul3A_48 = arith.muli %mul3A_47, %scan3A_46 : i32
      %mul3A_49 = arith.constant 128 : i32
      %mul3A_50 = arith.muli %mul3A_48, %mul3A_49 : i32
      %add3A_51 = arith.addi %mul3A_2, %mul3A_50 : i32
      %dma_wait3A_52 = tpu.memref_slice %arg3[%add3A_51] : memref<320000xi32, #tpu.memory_space<hbm>> -> memref<128xi32, #tpu.memory_space<hbm>>
      %dma_wait3A_53 = tpu.memref_slice %arg3[%add3A_51] : memref<320000xi32, #tpu.memory_space<hbm>> -> memref<128xi32, #tpu.memory_space<hbm>>
      tpu.wait_dma2 semaphore(%arg17 : memref<!tpu.dma_semaphore, #tpu.memory_space<semaphore_mem>>) src(%dma_wait3A_53 : memref<128xi32, #tpu.memory_space<hbm>>) dst(%arg7 : memref<128xi32, #tpu.memory_space<vmem>>)
      %mul3A_54 = arith.constant 128 : i32
      %mul3A_55 = arith.muli %mul3A_48, %mul3A_54 : i32
      %add3A_56 = arith.addi %mul3A_2, %mul3A_55 : i32
      %dma_wait3A_57 = tpu.memref_slice %arg4[%add3A_56] : memref<320000xi32, #tpu.memory_space<hbm>> -> memref<128xi32, #tpu.memory_space<hbm>>
      %dma_wait3A_58 = tpu.memref_slice %arg4[%add3A_56] : memref<320000xi32, #tpu.memory_space<hbm>> -> memref<128xi32, #tpu.memory_space<hbm>>
      tpu.wait_dma2 semaphore(%arg17 : memref<!tpu.dma_semaphore, #tpu.memory_space<semaphore_mem>>) src(%dma_wait3A_58 : memref<128xi32, #tpu.memory_space<hbm>>) dst(%arg8 : memref<128xi32, #tpu.memory_space<vmem>>)
      %dma_start3A_59 = arith.constant 0 : i32
      %dma_start3A_60 = arith.constant 0 : i32
      %dma_start3A_61 = tpu.memref_slice %arg2[%dma_start3A_59, %dma_start3A_60] : memref<10000x128xf32, #tpu.memory_space<hbm>> -> memref<10000x128xf32, #tpu.memory_space<hbm>>
      tpu.enqueue_indirect_dma source(%dma_start3A_61 : memref<10000x128xf32, #tpu.memory_space<hbm>>) target(%arg13 : memref<128x128xf32, #tpu.memory_space<vmem>>) offsets(%arg7 : memref<128xi32, #tpu.memory_space<vmem>>) semaphore(%arg19 : memref<!tpu.dma_semaphore, #tpu.memory_space<semaphore_mem>>)
      %gt3A = arith.constant 0 : i32
      %gt3A_62 = arith.cmpi sgt, %scan3A_46, %gt3A : i32
      %convert_element_type3A = arith.extui %gt3A_62 : i1 to i32
      %cond3A = arith.constant 0 : i32
      %cond3A_63 = arith.cmpi ne, %convert_element_type3A, %cond3A : i32
      scf.if %cond3A_63 {
        %dma_wait3A_100 = arith.constant 0 : i32
        %dma_wait3A_101 = arith.constant 0 : i32
        %dma_wait3A_102 = tpu.memref_slice %arg2[%dma_wait3A_100, %dma_wait3A_101] : memref<10000x128xf32, #tpu.memory_space<hbm>> -> memref<10000x128xf32, #tpu.memory_space<hbm>>
        tpu.wait_indirect_dma semaphore(%arg20 : memref<!tpu.dma_semaphore, #tpu.memory_space<semaphore_mem>>) src(%dma_wait3A_102 : memref<10000x128xf32, #tpu.memory_space<hbm>>) dst(%arg14 : memref<128x128xf32, #tpu.memory_space<vmem>>)
        "tpu.region"() ({
          %run_scoped3A = tpu.sem_alloc : memref<!tpu.dma_semaphore, #tpu.memory_space<semaphore_mem>>
          %dma_start3A_103 = arith.constant 0 : i32
          %dma_start3A_104 = arith.constant 0 : i32
          %dma_start3A_105 = tpu.memref_slice %arg16[%dma_start3A_103, %dma_start3A_104] : memref<10240x128xf32, #tpu.memory_space<vmem_shared>> -> memref<10240x128xf32, #tpu.memory_space<vmem_shared>>
          tpu.enqueue_indirect_dma source(%arg14 : memref<128x128xf32, #tpu.memory_space<vmem>>) target(%dma_start3A_105 : memref<10240x128xf32, #tpu.memory_space<vmem_shared>>) offsets(%arg10 : memref<128xi32, #tpu.memory_space<vmem>>) semaphore(%run_scoped3A : memref<!tpu.dma_semaphore, #tpu.memory_space<semaphore_mem>>) {add = true}
          %dma_wait3A_106 = arith.constant 0 : i32
          %dma_wait3A_107 = arith.constant 0 : i32
          %dma_wait3A_108 = tpu.memref_slice %arg16[%dma_wait3A_106, %dma_wait3A_107] : memref<10240x128xf32, #tpu.memory_space<vmem_shared>> -> memref<10240x128xf32, #tpu.memory_space<vmem_shared>>
          tpu.wait_indirect_dma semaphore(%run_scoped3A : memref<!tpu.dma_semaphore, #tpu.memory_space<semaphore_mem>>) src(%arg14 : memref<128x128xf32, #tpu.memory_space<vmem>>) dst(%dma_wait3A_108 : memref<10240x128xf32, #tpu.memory_space<vmem_shared>>)
          tpu.yield
        }) : () -> ()
      } else {
      }
      %add3A_64 = arith.constant 1 : i32
      %add3A_65 = arith.addi %mul3A_48, %add3A_64 : i32
      %mul3A_66 = arith.constant 128 : i32
      %mul3A_67 = arith.muli %add3A_65, %mul3A_66 : i32
      %add3A_68 = arith.addi %mul3A_2, %mul3A_67 : i32
      %dma_start3A_69 = tpu.memref_slice %arg3[%add3A_68] : memref<320000xi32, #tpu.memory_space<hbm>> -> memref<128xi32, #tpu.memory_space<hbm>>
      %dma_start3A_70 = tpu.memref_slice %arg3[%add3A_68] : memref<320000xi32, #tpu.memory_space<hbm>> -> memref<128xi32, #tpu.memory_space<hbm>>
      tpu.enqueue_dma source(%dma_start3A_70 : memref<128xi32, #tpu.memory_space<hbm>>) target(%arg9 : memref<128xi32, #tpu.memory_space<vmem>>) target_semaphore(%arg18 : memref<!tpu.dma_semaphore, #tpu.memory_space<semaphore_mem>>)
      %mul3A_71 = arith.constant 128 : i32
      %mul3A_72 = arith.muli %add3A_65, %mul3A_71 : i32
      %add3A_73 = arith.addi %mul3A_2, %mul3A_72 : i32
      %dma_start3A_74 = tpu.memref_slice %arg4[%add3A_73] : memref<320000xi32, #tpu.memory_space<hbm>> -> memref<128xi32, #tpu.memory_space<hbm>>
      %dma_start3A_75 = tpu.memref_slice %arg4[%add3A_73] : memref<320000xi32, #tpu.memory_space<hbm>> -> memref<128xi32, #tpu.memory_space<hbm>>
      tpu.enqueue_dma source(%dma_start3A_75 : memref<128xi32, #tpu.memory_space<hbm>>) target(%arg10 : memref<128xi32, #tpu.memory_space<vmem>>) target_semaphore(%arg18 : memref<!tpu.dma_semaphore, #tpu.memory_space<semaphore_mem>>)
      %add3A_76 = arith.constant 1 : i32
      %add3A_77 = arith.addi %mul3A_48, %add3A_76 : i32
      %mul3A_78 = arith.constant 128 : i32
      %mul3A_79 = arith.muli %add3A_77, %mul3A_78 : i32
      %add3A_80 = arith.addi %mul3A_2, %mul3A_79 : i32
      %dma_wait3A_81 = tpu.memref_slice %arg3[%add3A_80] : memref<320000xi32, #tpu.memory_space<hbm>> -> memref<128xi32, #tpu.memory_space<hbm>>
      %dma_wait3A_82 = tpu.memref_slice %arg3[%add3A_80] : memref<320000xi32, #tpu.memory_space<hbm>> -> memref<128xi32, #tpu.memory_space<hbm>>
      tpu.wait_dma2 semaphore(%arg18 : memref<!tpu.dma_semaphore, #tpu.memory_space<semaphore_mem>>) src(%dma_wait3A_82 : memref<128xi32, #tpu.memory_space<hbm>>) dst(%arg9 : memref<128xi32, #tpu.memory_space<vmem>>)
      %mul3A_83 = arith.constant 128 : i32
      %mul3A_84 = arith.muli %add3A_77, %mul3A_83 : i32
      %add3A_85 = arith.addi %mul3A_2, %mul3A_84 : i32
      %dma_wait3A_86 = tpu.memref_slice %arg4[%add3A_85] : memref<320000xi32, #tpu.memory_space<hbm>> -> memref<128xi32, #tpu.memory_space<hbm>>
      %dma_wait3A_87 = tpu.memref_slice %arg4[%add3A_85] : memref<320000xi32, #tpu.memory_space<hbm>> -> memref<128xi32, #tpu.memory_space<hbm>>
      tpu.wait_dma2 semaphore(%arg18 : memref<!tpu.dma_semaphore, #tpu.memory_space<semaphore_mem>>) src(%dma_wait3A_87 : memref<128xi32, #tpu.memory_space<hbm>>) dst(%arg10 : memref<128xi32, #tpu.memory_space<vmem>>)
      %dma_start3A_88 = arith.constant 0 : i32
      %dma_start3A_89 = arith.constant 0 : i32
      %dma_start3A_90 = tpu.memref_slice %arg2[%dma_start3A_88, %dma_start3A_89] : memref<10000x128xf32, #tpu.memory_space<hbm>> -> memref<10000x128xf32, #tpu.memory_space<hbm>>
      tpu.enqueue_indirect_dma source(%dma_start3A_90 : memref<10000x128xf32, #tpu.memory_space<hbm>>) target(%arg14 : memref<128x128xf32, #tpu.memory_space<vmem>>) offsets(%arg9 : memref<128xi32, #tpu.memory_space<vmem>>) semaphore(%arg20 : memref<!tpu.dma_semaphore, #tpu.memory_space<semaphore_mem>>)
      %dma_wait3A_91 = arith.constant 0 : i32
      %dma_wait3A_92 = arith.constant 0 : i32
      %dma_wait3A_93 = tpu.memref_slice %arg2[%dma_wait3A_91, %dma_wait3A_92] : memref<10000x128xf32, #tpu.memory_space<hbm>> -> memref<10000x128xf32, #tpu.memory_space<hbm>>
      tpu.wait_indirect_dma semaphore(%arg19 : memref<!tpu.dma_semaphore, #tpu.memory_space<semaphore_mem>>) src(%dma_wait3A_93 : memref<10000x128xf32, #tpu.memory_space<hbm>>) dst(%arg13 : memref<128x128xf32, #tpu.memory_space<vmem>>)
      "tpu.region"() ({
        %run_scoped3A = tpu.sem_alloc : memref<!tpu.dma_semaphore, #tpu.memory_space<semaphore_mem>>
        %dma_start3A_100 = arith.constant 0 : i32
        %dma_start3A_101 = arith.constant 0 : i32
        %dma_start3A_102 = tpu.memref_slice %arg16[%dma_start3A_100, %dma_start3A_101] : memref<10240x128xf32, #tpu.memory_space<vmem_shared>> -> memref<10240x128xf32, #tpu.memory_space<vmem_shared>>
        tpu.enqueue_indirect_dma source(%arg13 : memref<128x128xf32, #tpu.memory_space<vmem>>) target(%dma_start3A_102 : memref<10240x128xf32, #tpu.memory_space<vmem_shared>>) offsets(%arg8 : memref<128xi32, #tpu.memory_space<vmem>>) semaphore(%run_scoped3A : memref<!tpu.dma_semaphore, #tpu.memory_space<semaphore_mem>>) {add = true}
        %dma_wait3A_103 = arith.constant 0 : i32
        %dma_wait3A_104 = arith.constant 0 : i32
        %dma_wait3A_105 = tpu.memref_slice %arg16[%dma_wait3A_103, %dma_wait3A_104] : memref<10240x128xf32, #tpu.memory_space<vmem_shared>> -> memref<10240x128xf32, #tpu.memory_space<vmem_shared>>
        tpu.wait_indirect_dma semaphore(%run_scoped3A : memref<!tpu.dma_semaphore, #tpu.memory_space<semaphore_mem>>) src(%arg13 : memref<128x128xf32, #tpu.memory_space<vmem>>) dst(%dma_wait3A_105 : memref<10240x128xf32, #tpu.memory_space<vmem_shared>>)
        tpu.yield
      }) : () -> ()
      %add3A_94 = arith.constant 1 : i32
      %add3A_95 = arith.addi %scan3A_46, %add3A_94 : i32
      %lt3A = arith.constant 39 : i32
      %lt3A_96 = arith.cmpi slt, %add3A_95, %lt3A : i32
      %convert_element_type3A_97 = arith.extui %lt3A_96 : i1 to i32
      %cond3A_98 = arith.constant 0 : i32
      %cond3A_99 = arith.cmpi ne, %convert_element_type3A_97, %cond3A_98 : i32
      scf.if %cond3A_99 {
        %add3A_100 = arith.constant 2 : i32
        %add3A_101 = arith.addi %mul3A_48, %add3A_100 : i32
        %mul3A_102 = arith.constant 128 : i32
        %mul3A_103 = arith.muli %add3A_101, %mul3A_102 : i32
        %add3A_104 = arith.addi %mul3A_2, %mul3A_103 : i32
        %dma_start3A_105 = tpu.memref_slice %arg3[%add3A_104] : memref<320000xi32, #tpu.memory_space<hbm>> -> memref<128xi32, #tpu.memory_space<hbm>>
        %dma_start3A_106 = tpu.memref_slice %arg3[%add3A_104] : memref<320000xi32, #tpu.memory_space<hbm>> -> memref<128xi32, #tpu.memory_space<hbm>>
        tpu.enqueue_dma source(%dma_start3A_106 : memref<128xi32, #tpu.memory_space<hbm>>) target(%arg7 : memref<128xi32, #tpu.memory_space<vmem>>) target_semaphore(%arg17 : memref<!tpu.dma_semaphore, #tpu.memory_space<semaphore_mem>>)
        %mul3A_107 = arith.constant 128 : i32
        %mul3A_108 = arith.muli %add3A_101, %mul3A_107 : i32
        %add3A_109 = arith.addi %mul3A_2, %mul3A_108 : i32
        %dma_start3A_110 = tpu.memref_slice %arg4[%add3A_109] : memref<320000xi32, #tpu.memory_space<hbm>> -> memref<128xi32, #tpu.memory_space<hbm>>
        %dma_start3A_111 = tpu.memref_slice %arg4[%add3A_109] : memref<320000xi32, #tpu.memory_space<hbm>> -> memref<128xi32, #tpu.memory_space<hbm>>
        tpu.enqueue_dma source(%dma_start3A_111 : memref<128xi32, #tpu.memory_space<hbm>>) target(%arg8 : memref<128xi32, #tpu.memory_space<vmem>>) target_semaphore(%arg17 : memref<!tpu.dma_semaphore, #tpu.memory_space<semaphore_mem>>)
      } else {
      }
    }
    %scan3A_16 = arith.constant 39 : i32
    %add3A_17 = arith.constant 9984 : i32
    %add3A_18 = arith.addi %mul3A_2, %add3A_17 : i32
    %dma_start3A_19 = tpu.memref_slice %arg3[%add3A_18] : memref<320000xi32, #tpu.memory_space<hbm>> -> memref<16xi32, #tpu.memory_space<hbm>>
    %dma_start3A_20 = tpu.memref_slice %arg3[%add3A_18] : memref<320000xi32, #tpu.memory_space<hbm>> -> memref<16xi32, #tpu.memory_space<hbm>>
    tpu.enqueue_dma source(%dma_start3A_20 : memref<16xi32, #tpu.memory_space<hbm>>) target(%arg11 : memref<16xi32, #tpu.memory_space<vmem>>) target_semaphore(%arg17 : memref<!tpu.dma_semaphore, #tpu.memory_space<semaphore_mem>>)
    %add3A_21 = arith.constant 9984 : i32
    %add3A_22 = arith.addi %mul3A_2, %add3A_21 : i32
    %dma_start3A_23 = tpu.memref_slice %arg4[%add3A_22] : memref<320000xi32, #tpu.memory_space<hbm>> -> memref<16xi32, #tpu.memory_space<hbm>>
    %dma_start3A_24 = tpu.memref_slice %arg4[%add3A_22] : memref<320000xi32, #tpu.memory_space<hbm>> -> memref<16xi32, #tpu.memory_space<hbm>>
    tpu.enqueue_dma source(%dma_start3A_24 : memref<16xi32, #tpu.memory_space<hbm>>) target(%arg12 : memref<16xi32, #tpu.memory_space<vmem>>) target_semaphore(%arg17 : memref<!tpu.dma_semaphore, #tpu.memory_space<semaphore_mem>>)
    %dma_wait3A = arith.constant 0 : i32
    %dma_wait3A_25 = arith.constant 0 : i32
    %dma_wait3A_26 = tpu.memref_slice %arg2[%dma_wait3A, %dma_wait3A_25] : memref<10000x128xf32, #tpu.memory_space<hbm>> -> memref<10000x128xf32, #tpu.memory_space<hbm>>
    tpu.wait_indirect_dma semaphore(%arg20 : memref<!tpu.dma_semaphore, #tpu.memory_space<semaphore_mem>>) src(%dma_wait3A_26 : memref<10000x128xf32, #tpu.memory_space<hbm>>) dst(%arg14 : memref<128x128xf32, #tpu.memory_space<vmem>>)
    "tpu.region"() ({
      %run_scoped3A = tpu.sem_alloc : memref<!tpu.dma_semaphore, #tpu.memory_space<semaphore_mem>>
      %dma_start3A_46 = arith.constant 0 : i32
      %dma_start3A_47 = arith.constant 0 : i32
      %dma_start3A_48 = tpu.memref_slice %arg16[%dma_start3A_46, %dma_start3A_47] : memref<10240x128xf32, #tpu.memory_space<vmem_shared>> -> memref<10240x128xf32, #tpu.memory_space<vmem_shared>>
      tpu.enqueue_indirect_dma source(%arg14 : memref<128x128xf32, #tpu.memory_space<vmem>>) target(%dma_start3A_48 : memref<10240x128xf32, #tpu.memory_space<vmem_shared>>) offsets(%arg10 : memref<128xi32, #tpu.memory_space<vmem>>) semaphore(%run_scoped3A : memref<!tpu.dma_semaphore, #tpu.memory_space<semaphore_mem>>) {add = true}
      %dma_wait3A_49 = arith.constant 0 : i32
      %dma_wait3A_50 = arith.constant 0 : i32
      %dma_wait3A_51 = tpu.memref_slice %arg16[%dma_wait3A_49, %dma_wait3A_50] : memref<10240x128xf32, #tpu.memory_space<vmem_shared>> -> memref<10240x128xf32, #tpu.memory_space<vmem_shared>>
      tpu.wait_indirect_dma semaphore(%run_scoped3A : memref<!tpu.dma_semaphore, #tpu.memory_space<semaphore_mem>>) src(%arg14 : memref<128x128xf32, #tpu.memory_space<vmem>>) dst(%dma_wait3A_51 : memref<10240x128xf32, #tpu.memory_space<vmem_shared>>)
      tpu.yield
    }) : () -> ()
    %add3A_27 = arith.constant 9984 : i32
    %add3A_28 = arith.addi %mul3A_2, %add3A_27 : i32
    %dma_wait3A_29 = tpu.memref_slice %arg3[%add3A_28] : memref<320000xi32, #tpu.memory_space<hbm>> -> memref<16xi32, #tpu.memory_space<hbm>>
    %dma_wait3A_30 = tpu.memref_slice %arg3[%add3A_28] : memref<320000xi32, #tpu.memory_space<hbm>> -> memref<16xi32, #tpu.memory_space<hbm>>
    tpu.wait_dma2 semaphore(%arg17 : memref<!tpu.dma_semaphore, #tpu.memory_space<semaphore_mem>>) src(%dma_wait3A_30 : memref<16xi32, #tpu.memory_space<hbm>>) dst(%arg11 : memref<16xi32, #tpu.memory_space<vmem>>)
    %add3A_31 = arith.constant 9984 : i32
    %add3A_32 = arith.addi %mul3A_2, %add3A_31 : i32
    %dma_wait3A_33 = tpu.memref_slice %arg4[%add3A_32] : memref<320000xi32, #tpu.memory_space<hbm>> -> memref<16xi32, #tpu.memory_space<hbm>>
    %dma_wait3A_34 = tpu.memref_slice %arg4[%add3A_32] : memref<320000xi32, #tpu.memory_space<hbm>> -> memref<16xi32, #tpu.memory_space<hbm>>
    tpu.wait_dma2 semaphore(%arg17 : memref<!tpu.dma_semaphore, #tpu.memory_space<semaphore_mem>>) src(%dma_wait3A_34 : memref<16xi32, #tpu.memory_space<hbm>>) dst(%arg12 : memref<16xi32, #tpu.memory_space<vmem>>)
    %dma_start3A_35 = arith.constant 0 : i32
    %dma_start3A_36 = arith.constant 0 : i32
    %dma_start3A_37 = tpu.memref_slice %arg2[%dma_start3A_35, %dma_start3A_36] : memref<10000x128xf32, #tpu.memory_space<hbm>> -> memref<10000x128xf32, #tpu.memory_space<hbm>>
    tpu.enqueue_indirect_dma source(%dma_start3A_37 : memref<10000x128xf32, #tpu.memory_space<hbm>>) target(%arg15 : memref<16x128xf32, #tpu.memory_space<vmem>>) offsets(%arg11 : memref<16xi32, #tpu.memory_space<vmem>>) semaphore(%arg19 : memref<!tpu.dma_semaphore, #tpu.memory_space<semaphore_mem>>)
    %dma_wait3A_38 = arith.constant 0 : i32
    %dma_wait3A_39 = arith.constant 0 : i32
    %dma_wait3A_40 = tpu.memref_slice %arg2[%dma_wait3A_38, %dma_wait3A_39] : memref<10000x128xf32, #tpu.memory_space<hbm>> -> memref<10000x128xf32, #tpu.memory_space<hbm>>
    tpu.wait_indirect_dma semaphore(%arg19 : memref<!tpu.dma_semaphore, #tpu.memory_space<semaphore_mem>>) src(%dma_wait3A_40 : memref<10000x128xf32, #tpu.memory_space<hbm>>) dst(%arg15 : memref<16x128xf32, #tpu.memory_space<vmem>>)
    "tpu.region"() ({
      %run_scoped3A = tpu.sem_alloc : memref<!tpu.dma_semaphore, #tpu.memory_space<semaphore_mem>>
      %dma_start3A_46 = arith.constant 0 : i32
      %dma_start3A_47 = arith.constant 0 : i32
      %dma_start3A_48 = tpu.memref_slice %arg16[%dma_start3A_46, %dma_start3A_47] : memref<10240x128xf32, #tpu.memory_space<vmem_shared>> -> memref<10240x128xf32, #tpu.memory_space<vmem_shared>>
      tpu.enqueue_indirect_dma source(%arg15 : memref<16x128xf32, #tpu.memory_space<vmem>>) target(%dma_start3A_48 : memref<10240x128xf32, #tpu.memory_space<vmem_shared>>) offsets(%arg12 : memref<16xi32, #tpu.memory_space<vmem>>) semaphore(%run_scoped3A : memref<!tpu.dma_semaphore, #tpu.memory_space<semaphore_mem>>) {add = true}
      %dma_wait3A_49 = arith.constant 0 : i32
      %dma_wait3A_50 = arith.constant 0 : i32
      %dma_wait3A_51 = tpu.memref_slice %arg16[%dma_wait3A_49, %dma_wait3A_50] : memref<10240x128xf32, #tpu.memory_space<vmem_shared>> -> memref<10240x128xf32, #tpu.memory_space<vmem_shared>>
      tpu.wait_indirect_dma semaphore(%run_scoped3A : memref<!tpu.dma_semaphore, #tpu.memory_space<semaphore_mem>>) src(%arg15 : memref<16x128xf32, #tpu.memory_space<vmem>>) dst(%dma_wait3A_51 : memref<10240x128xf32, #tpu.memory_space<vmem_shared>>)
      tpu.yield
    }) : () -> ()
    %barrier3A_41 = arith.constant 0 : index
    tpu.barrier barrier_id(%barrier3A_41)
    %mul3A_42 = arith.constant 640 : i32
    %mul3A_43 = arith.muli %arg1, %mul3A_42 : i32
    %mul3A_44 = arith.constant 640 : i32
    %mul3A_45 = arith.muli %arg1, %mul3A_44 : i32
    "tpu.region"() ({
      %run_scoped3A = tpu.sem_alloc : memref<!tpu.dma_semaphore, #tpu.memory_space<semaphore_mem>>
      %dma_start3A_46 = arith.constant 0 : i32
      %dma_start3A_47 = tpu.memref_slice %arg6[%arg0, %mul3A_45, %dma_start3A_46] : memref<2x10240x128xf32, #tpu.memory_space<hbm>> -> memref<1x640x128xf32, #tpu.memory_space<hbm>>
      %dma_start3A_48 = tpu.memref_squeeze %dma_start3A_47 : memref<1x640x128xf32, #tpu.memory_space<hbm>> -> memref<640x128xf32, #tpu.memory_space<hbm>>
      %dma_start3A_49 = arith.constant 0 : i32
      %dma_start3A_50 = tpu.memref_slice %arg16[%mul3A_43, %dma_start3A_49] : memref<10240x128xf32, #tpu.memory_space<vmem_shared>> -> memref<640x128xf32, #tpu.memory_space<vmem_shared>>
      tpu.enqueue_dma source(%dma_start3A_50 : memref<640x128xf32, #tpu.memory_space<vmem_shared>>) target(%dma_start3A_48 : memref<640x128xf32, #tpu.memory_space<hbm>>) target_semaphore(%run_scoped3A : memref<!tpu.dma_semaphore, #tpu.memory_space<semaphore_mem>>)
      %dma_wait3A_51 = arith.constant 0 : i32
      %dma_wait3A_52 = tpu.memref_slice %arg6[%arg0, %mul3A_45, %dma_wait3A_51] : memref<2x10240x128xf32, #tpu.memory_space<hbm>> -> memref<1x640x128xf32, #tpu.memory_space<hbm>>
      %dma_wait3A_53 = tpu.memref_squeeze %dma_wait3A_52 : memref<1x640x128xf32, #tpu.memory_space<hbm>> -> memref<640x128xf32, #tpu.memory_space<hbm>>
      %dma_wait3A_54 = arith.constant 0 : i32
      %dma_wait3A_55 = tpu.memref_slice %arg16[%mul3A_43, %dma_wait3A_54] : memref<10240x128xf32, #tpu.memory_space<vmem_shared>> -> memref<640x128xf32, #tpu.memory_space<vmem_shared>>
      tpu.wait_dma2 semaphore(%run_scoped3A : memref<!tpu.dma_semaphore, #tpu.memory_space<semaphore_mem>>) src(%dma_wait3A_55 : memref<640x128xf32, #tpu.memory_space<vmem_shared>>) dst(%dma_wait3A_53 : memref<640x128xf32, #tpu.memory_space<hbm>>)
      tpu.yield
    }) : () -> ()
    return
  }
}

module attributes {stable_mosaic.version = 14 : i64} {
  func.func @_pre_body(%arg0: memref<10000x128xf32, #tpu.memory_space<vmem>>, %arg1: memref<128x128xf32, #tpu.memory_space<vmem>>, %arg2: memref<2x10240x128xf32, #tpu.memory_space<vmem>>, %arg3: memref<10000x128xf32, #tpu.memory_space<vmem>>, %arg4: memref<10000x1xf32, #tpu.memory_space<vmem>>) attributes {dimension_semantics = [], scalar_prefetch = 0 : i64, scratch_operands = 0 : i64, tpu.core_type = #tpu.core_type<tc>} {
    %get3A = arith.constant 0 : index
    %get3A_0 = arith.constant 0 : index
    %get3A_1 = arith.constant 0 : index
    %get3A_2 = vector.load %arg2[%get3A, %get3A_0, %get3A_1] : memref<2x10240x128xf32, #tpu.memory_space<vmem>>, vector<1x10000x1xf32>
    %get3A_3 = vector.shape_cast %get3A_2 : vector<1x10000x1xf32> to vector<10000x1xf32>
    %add3A = arith.constant 1.000000e+00 : f32
    %add3A_4 = vector.broadcast %add3A : f32 to vector<10000x1xf32>
    %add3A_5 = arith.addf %add3A_4, %get3A_3 : vector<10000x1xf32>
    %get3A_6 = arith.constant 1 : index
    %get3A_7 = arith.constant 0 : index
    %get3A_8 = arith.constant 0 : index
    %get3A_9 = vector.load %arg2[%get3A_6, %get3A_7, %get3A_8] : memref<2x10240x128xf32, #tpu.memory_space<vmem>>, vector<1x10000x1xf32>
    %get3A_10 = vector.shape_cast %get3A_9 : vector<1x10000x1xf32> to vector<10000x1xf32>
    %add3A_11 = arith.addf %add3A_5, %get3A_10 : vector<10000x1xf32>
    %rsqrt3A = math.rsqrt %add3A_11 : vector<10000x1xf32>
    %swap3A = arith.constant 0 : index
    %swap3A_12 = arith.constant 0 : index
    %swap3A_13 = vector.load %arg4[%swap3A, %swap3A_12] : memref<10000x1xf32, #tpu.memory_space<vmem>>, vector<10000x1xf32>
    tpu.vector_store %arg4[%swap3A, %swap3A_12], %rsqrt3A {strides = array<i32>} : memref<10000x1xf32, #tpu.memory_space<vmem>>, vector<10000x1xf32>,
    %get3A_14 = arith.constant 0 : index
    %get3A_15 = arith.constant 0 : index
    %get3A_16 = vector.load %arg0[%get3A_14, %get3A_15] : memref<10000x128xf32, #tpu.memory_space<vmem>>, vector<10000x128xf32>
    %get3A_17 = arith.constant 0 : index
    %get3A_18 = arith.constant 0 : index
    %get3A_19 = vector.load %arg1[%get3A_17, %get3A_18] : memref<128x128xf32, #tpu.memory_space<vmem>>, vector<128x128xf32>
    %dot_general3A = arith.constant dense<0.000000e+00> : vector<10000x128xf32>
    %dot_general3A_20 = tpu.matmul %get3A_16, %get3A_19, %dot_general3A {dimension_numbers = #tpu.dot_dimension_numbers<[1], [0], [0], [1], [0, 0, 1, 1], [], []>, transpose_lhs_hint = false} : vector<10000x128xf32>, vector<128x128xf32>, vector<10000x128xf32> -> vector<10000x128xf32>
    %mul3A = vector.broadcast %rsqrt3A : vector<10000x1xf32> to vector<10000x128xf32>
    %mul3A_21 = arith.mulf %mul3A, %dot_general3A_20 : vector<10000x128xf32>
    %swap3A_22 = arith.constant 0 : index
    %swap3A_23 = arith.constant 0 : index
    %swap3A_24 = vector.load %arg3[%swap3A_22, %swap3A_23] : memref<10000x128xf32, #tpu.memory_space<vmem>>, vector<10000x128xf32>
    tpu.vector_store %arg3[%swap3A_22, %swap3A_23], %mul3A_21 {strides = array<i32>} : memref<10000x128xf32, #tpu.memory_space<vmem>>, vector<10000x128xf32>,
    return
  }
}

module attributes {stable_mosaic.version = 14 : i64} {
  func.func @_post_body(%arg0: memref<10000x128xf32, #tpu.memory_space<vmem>>, %arg1: memref<2x10240x128xf32, #tpu.memory_space<vmem>>, %arg2: memref<10000x1xf32, #tpu.memory_space<vmem>>, %arg3: memref<1x128xf32, #tpu.memory_space<vmem>>, %arg4: memref<1x128xf32, #tpu.memory_space<vmem>>, %arg5: memref<1x128xf32, #tpu.memory_space<vmem>>, %arg6: memref<10000x128xf32, #tpu.memory_space<vmem>>) attributes {dimension_semantics = [], scalar_prefetch = 0 : i64, scratch_operands = 0 : i64, tpu.core_type = #tpu.core_type<tc>} {
    %get3A = arith.constant 0 : index
    %get3A_0 = arith.constant 0 : index
    %get3A_1 = vector.load %arg2[%get3A, %get3A_0] : memref<10000x1xf32, #tpu.memory_space<vmem>>, vector<10000x1xf32>
    %get3A_2 = arith.constant 0 : index
    %get3A_3 = arith.constant 0 : index
    %get3A_4 = vector.load %arg0[%get3A_2, %get3A_3] : memref<10000x128xf32, #tpu.memory_space<vmem>>, vector<10000x128xf32>
    %get3A_5 = arith.constant 0 : index
    %get3A_6 = arith.constant 0 : index
    %get3A_7 = arith.constant 0 : index
    %get3A_8 = vector.load %arg1[%get3A_5, %get3A_6, %get3A_7] : memref<2x10240x128xf32, #tpu.memory_space<vmem>>, vector<1x10000x128xf32>
    %get3A_9 = vector.shape_cast %get3A_8 : vector<1x10000x128xf32> to vector<10000x128xf32>
    %add3A = arith.addf %get3A_4, %get3A_9 : vector<10000x128xf32>
    %get3A_10 = arith.constant 1 : index
    %get3A_11 = arith.constant 0 : index
    %get3A_12 = arith.constant 0 : index
    %get3A_13 = vector.load %arg1[%get3A_10, %get3A_11, %get3A_12] : memref<2x10240x128xf32, #tpu.memory_space<vmem>>, vector<1x10000x128xf32>
    %get3A_14 = vector.shape_cast %get3A_13 : vector<1x10000x128xf32> to vector<10000x128xf32>
    %add3A_15 = arith.addf %add3A, %get3A_14 : vector<10000x128xf32>
    %mul3A = vector.broadcast %get3A_1 : vector<10000x1xf32> to vector<10000x128xf32>
    %mul3A_16 = arith.mulf %mul3A, %add3A_15 : vector<10000x128xf32>
    %get3A_17 = arith.constant 0 : index
    %get3A_18 = arith.constant 0 : index
    %get3A_19 = vector.load %arg3[%get3A_17, %get3A_18] : memref<1x128xf32, #tpu.memory_space<vmem>>, vector<1x128xf32>
    %add3A_20 = vector.broadcast %get3A_19 : vector<1x128xf32> to vector<10000x128xf32>
    %add3A_21 = arith.addf %mul3A_16, %add3A_20 : vector<10000x128xf32>
    %max3A = arith.constant 0.000000e+00 : f32
    %max3A_22 = vector.broadcast %max3A : f32 to vector<10000x128xf32>
    %max3A_23 = arith.maximumf %add3A_21, %max3A_22 : vector<10000x128xf32>
    %reduce_sum3A = arith.constant dense<0.000000e+00> : vector<128xf32>
    %reduce_sum3A_24 = vector.multi_reduction <add>, %max3A_23, %reduce_sum3A [0] : vector<10000x128xf32> to vector<128xf32>
    %broadcast_in_dim3A = vector.shape_cast %reduce_sum3A_24 : vector<128xf32> to vector<1x128xf32>
    %div3A = arith.constant 1.000000e+04 : f32
    %div3A_25 = vector.broadcast %div3A : f32 to vector<1x128xf32>
    %div3A_26 = arith.divf %broadcast_in_dim3A, %div3A_25 : vector<1x128xf32>
    %sub3A = vector.broadcast %div3A_26 : vector<1x128xf32> to vector<10000x128xf32>
    %sub3A_27 = arith.subf %max3A_23, %sub3A : vector<10000x128xf32>
    %mul3A_28 = arith.mulf %sub3A_27, %sub3A_27 : vector<10000x128xf32>
    %reduce_sum3A_29 = arith.constant dense<0.000000e+00> : vector<128xf32>
    %reduce_sum3A_30 = vector.multi_reduction <add>, %mul3A_28, %reduce_sum3A_29 [0] : vector<10000x128xf32> to vector<128xf32>
    %broadcast_in_dim3A_31 = vector.shape_cast %reduce_sum3A_30 : vector<128xf32> to vector<1x128xf32>
    %div3A_32 = arith.constant 1.000000e+04 : f32
    %div3A_33 = vector.broadcast %div3A_32 : f32 to vector<1x128xf32>
    %div3A_34 = arith.divf %broadcast_in_dim3A_31, %div3A_33 : vector<1x128xf32>
    %add3A_35 = arith.constant 9.99999974E-6 : f32
    %add3A_36 = vector.broadcast %add3A_35 : f32 to vector<1x128xf32>
    %add3A_37 = arith.addf %div3A_34, %add3A_36 : vector<1x128xf32>
    %rsqrt3A = math.rsqrt %add3A_37 : vector<1x128xf32>
    %mul3A_38 = vector.broadcast %rsqrt3A : vector<1x128xf32> to vector<10000x128xf32>
    %mul3A_39 = arith.mulf %sub3A_27, %mul3A_38 : vector<10000x128xf32>
    %get3A_40 = arith.constant 0 : index
    %get3A_41 = arith.constant 0 : index
    %get3A_42 = vector.load %arg4[%get3A_40, %get3A_41] : memref<1x128xf32, #tpu.memory_space<vmem>>, vector<1x128xf32>
    %mul3A_43 = vector.broadcast %get3A_42 : vector<1x128xf32> to vector<10000x128xf32>
    %mul3A_44 = arith.mulf %mul3A_39, %mul3A_43 : vector<10000x128xf32>
    %get3A_45 = arith.constant 0 : index
    %get3A_46 = arith.constant 0 : index
    %get3A_47 = vector.load %arg5[%get3A_45, %get3A_46] : memref<1x128xf32, #tpu.memory_space<vmem>>, vector<1x128xf32>
    %add3A_48 = vector.broadcast %get3A_47 : vector<1x128xf32> to vector<10000x128xf32>
    %add3A_49 = arith.addf %mul3A_44, %add3A_48 : vector<10000x128xf32>
    %swap3A = arith.constant 0 : index
    %swap3A_50 = arith.constant 0 : index
    %swap3A_51 = vector.load %arg6[%swap3A, %swap3A_50] : memref<10000x128xf32, #tpu.memory_space<vmem>>, vector<10000x128xf32>
    tpu.vector_store %arg6[%swap3A, %swap3A_50], %add3A_49 {strides = array<i32>} : memref<10000x128xf32, #tpu.memory_space<vmem>>, vector<10000x128xf32>,
    return
  }
}

module attributes {stable_mosaic.version = 14 : i64} {
  func.func @_mid_body(%arg0: memref<10000x128xf32, #tpu.memory_space<vmem>>, %arg1: memref<2x10240x128xf32, #tpu.memory_space<vmem>>, %arg2: memref<10000x1xf32, #tpu.memory_space<vmem>>, %arg3: memref<1x128xf32, #tpu.memory_space<vmem>>, %arg4: memref<1x128xf32, #tpu.memory_space<vmem>>, %arg5: memref<1x128xf32, #tpu.memory_space<vmem>>, %arg6: memref<128x128xf32, #tpu.memory_space<vmem>>, %arg7: memref<10000x128xf32, #tpu.memory_space<vmem>>) attributes {dimension_semantics = [], scalar_prefetch = 0 : i64, scratch_operands = 0 : i64, tpu.core_type = #tpu.core_type<tc>} {
    %get3A = arith.constant 0 : index
    %get3A_0 = arith.constant 0 : index
    %get3A_1 = vector.load %arg2[%get3A, %get3A_0] : memref<10000x1xf32, #tpu.memory_space<vmem>>, vector<10000x1xf32>
    %get3A_2 = arith.constant 0 : index
    %get3A_3 = arith.constant 0 : index
    %get3A_4 = vector.load %arg0[%get3A_2, %get3A_3] : memref<10000x128xf32, #tpu.memory_space<vmem>>, vector<10000x128xf32>
    %get3A_5 = arith.constant 0 : index
    %get3A_6 = arith.constant 0 : index
    %get3A_7 = arith.constant 0 : index
    %get3A_8 = vector.load %arg1[%get3A_5, %get3A_6, %get3A_7] : memref<2x10240x128xf32, #tpu.memory_space<vmem>>, vector<1x10000x128xf32>
    %get3A_9 = vector.shape_cast %get3A_8 : vector<1x10000x128xf32> to vector<10000x128xf32>
    %add3A = arith.addf %get3A_4, %get3A_9 : vector<10000x128xf32>
    %get3A_10 = arith.constant 1 : index
    %get3A_11 = arith.constant 0 : index
    %get3A_12 = arith.constant 0 : index
    %get3A_13 = vector.load %arg1[%get3A_10, %get3A_11, %get3A_12] : memref<2x10240x128xf32, #tpu.memory_space<vmem>>, vector<1x10000x128xf32>
    %get3A_14 = vector.shape_cast %get3A_13 : vector<1x10000x128xf32> to vector<10000x128xf32>
    %add3A_15 = arith.addf %add3A, %get3A_14 : vector<10000x128xf32>
    %mul3A = vector.broadcast %get3A_1 : vector<10000x1xf32> to vector<10000x128xf32>
    %mul3A_16 = arith.mulf %mul3A, %add3A_15 : vector<10000x128xf32>
    %get3A_17 = arith.constant 0 : index
    %get3A_18 = arith.constant 0 : index
    %get3A_19 = vector.load %arg3[%get3A_17, %get3A_18] : memref<1x128xf32, #tpu.memory_space<vmem>>, vector<1x128xf32>
    %add3A_20 = vector.broadcast %get3A_19 : vector<1x128xf32> to vector<10000x128xf32>
    %add3A_21 = arith.addf %mul3A_16, %add3A_20 : vector<10000x128xf32>
    %max3A = arith.constant 0.000000e+00 : f32
    %max3A_22 = vector.broadcast %max3A : f32 to vector<10000x128xf32>
    %max3A_23 = arith.maximumf %add3A_21, %max3A_22 : vector<10000x128xf32>
    %reduce_sum3A = arith.constant dense<0.000000e+00> : vector<128xf32>
    %reduce_sum3A_24 = vector.multi_reduction <add>, %max3A_23, %reduce_sum3A [0] : vector<10000x128xf32> to vector<128xf32>
    %broadcast_in_dim3A = vector.shape_cast %reduce_sum3A_24 : vector<128xf32> to vector<1x128xf32>
    %div3A = arith.constant 1.000000e+04 : f32
    %div3A_25 = vector.broadcast %div3A : f32 to vector<1x128xf32>
    %div3A_26 = arith.divf %broadcast_in_dim3A, %div3A_25 : vector<1x128xf32>
    %sub3A = vector.broadcast %div3A_26 : vector<1x128xf32> to vector<10000x128xf32>
    %sub3A_27 = arith.subf %max3A_23, %sub3A : vector<10000x128xf32>
    %mul3A_28 = arith.mulf %sub3A_27, %sub3A_27 : vector<10000x128xf32>
    %reduce_sum3A_29 = arith.constant dense<0.000000e+00> : vector<128xf32>
    %reduce_sum3A_30 = vector.multi_reduction <add>, %mul3A_28, %reduce_sum3A_29 [0] : vector<10000x128xf32> to vector<128xf32>
    %broadcast_in_dim3A_31 = vector.shape_cast %reduce_sum3A_30 : vector<128xf32> to vector<1x128xf32>
    %div3A_32 = arith.constant 1.000000e+04 : f32
    %div3A_33 = vector.broadcast %div3A_32 : f32 to vector<1x128xf32>
    %div3A_34 = arith.divf %broadcast_in_dim3A_31, %div3A_33 : vector<1x128xf32>
    %add3A_35 = arith.constant 9.99999974E-6 : f32
    %add3A_36 = vector.broadcast %add3A_35 : f32 to vector<1x128xf32>
    %add3A_37 = arith.addf %div3A_34, %add3A_36 : vector<1x128xf32>
    %rsqrt3A = math.rsqrt %add3A_37 : vector<1x128xf32>
    %mul3A_38 = vector.broadcast %rsqrt3A : vector<1x128xf32> to vector<10000x128xf32>
    %mul3A_39 = arith.mulf %sub3A_27, %mul3A_38 : vector<10000x128xf32>
    %get3A_40 = arith.constant 0 : index
    %get3A_41 = arith.constant 0 : index
    %get3A_42 = vector.load %arg4[%get3A_40, %get3A_41] : memref<1x128xf32, #tpu.memory_space<vmem>>, vector<1x128xf32>
    %mul3A_43 = vector.broadcast %get3A_42 : vector<1x128xf32> to vector<10000x128xf32>
    %mul3A_44 = arith.mulf %mul3A_39, %mul3A_43 : vector<10000x128xf32>
    %get3A_45 = arith.constant 0 : index
    %get3A_46 = arith.constant 0 : index
    %get3A_47 = vector.load %arg5[%get3A_45, %get3A_46] : memref<1x128xf32, #tpu.memory_space<vmem>>, vector<1x128xf32>
    %add3A_48 = vector.broadcast %get3A_47 : vector<1x128xf32> to vector<10000x128xf32>
    %add3A_49 = arith.addf %mul3A_44, %add3A_48 : vector<10000x128xf32>
    %get3A_50 = arith.constant 0 : index
    %get3A_51 = arith.constant 0 : index
    %get3A_52 = vector.load %arg2[%get3A_50, %get3A_51] : memref<10000x1xf32, #tpu.memory_space<vmem>>, vector<10000x1xf32>
    %get3A_53 = arith.constant 0 : index
    %get3A_54 = arith.constant 0 : index
    %get3A_55 = vector.load %arg6[%get3A_53, %get3A_54] : memref<128x128xf32, #tpu.memory_space<vmem>>, vector<128x128xf32>
    %dot_general3A = arith.constant dense<0.000000e+00> : vector<10000x128xf32>
    %dot_general3A_56 = tpu.matmul %add3A_49, %get3A_55, %dot_general3A {dimension_numbers = #tpu.dot_dimension_numbers<[1], [0], [0], [1], [0, 0, 1, 1], [], []>, transpose_lhs_hint = false} : vector<10000x128xf32>, vector<128x128xf32>, vector<10000x128xf32> -> vector<10000x128xf32>
    %mul3A_57 = vector.broadcast %get3A_52 : vector<10000x1xf32> to vector<10000x128xf32>
    %mul3A_58 = arith.mulf %mul3A_57, %dot_general3A_56 : vector<10000x128xf32>
    %swap3A = arith.constant 0 : index
    %swap3A_59 = arith.constant 0 : index
    %swap3A_60 = vector.load %arg7[%swap3A, %swap3A_59] : memref<10000x128xf32, #tpu.memory_space<vmem>>, vector<10000x128xf32>
    tpu.vector_store %arg7[%swap3A, %swap3A_59], %mul3A_58 {strides = array<i32>} : memref<10000x128xf32, #tpu.memory_space<vmem>>, vector<10000x128xf32>,
    return
  }
}

</mosaic_0001>

<sc_bundles>
// kernel: kernel.10.cloned.1.call-start
scs
__scs_entry_jumppad:
0x0: {  	(pc) =	sbr.rel $0x88, $3  }
0x1: {  	(tag) =	ssettag $0x0;
	lr =	simm.s32 $0x1  }
0x2: {  	[smem:$0x3F93] =	sst lr;
	_ =	strace $0xD0000000  }
0x3: {  	_ = 	snop  }
0x4: {  	_ = 	snop  }
0x5: {  	_ = 	snop  }
0x6: {  	_ = 	snop  }
0x7: {  	_ = 	snop  }
__scs_overlays_trampoline_lowered:
0x8: {  	[smem:$0x3FA2] =	sst s0  }
0x9: {  	[smem:$0x3FA3] =	sst s1  }
0xa: {  	[smem:$0x3FA4] =	sst s2  }
0xb: {  	[smem:$0x3FA5] =	sst s3  }
0xc: {  	[smem:$0x3FA6] =	sst s4  }
0xd: {  	[smem:$0x3FA7] =	sst s5  }
0xe: {  	[smem:$0x3FA8] =	sst s6  }
0xf: {  	[smem:$0x3FA9] =	sst s7  }
0x10: {  	[smem:$0x3FAA] =	sst s8  }
0x11: {  	[smem:$0x3FAB] =	sst s9;
	s0 =	simm.s32 @!p0 $0x0  }
0x12: {  	s1 =	sld [smem:$0x3F91];
	s0 =	simm.s32 @p0 $0x1  }
0x13: {  	[smem:$0x3FAC] =	sst s0;
	s0 =	simm.s32 @!p1 $0x0  }
0x14: {  	s2 =	sld [smem:$0x3F90];
	s0 =	simm.s32 @p1 $0x1  }
0x15: {  	[smem:$0x3FAD] =	sst s0;
	s0 =	simm.s32 @!p2 $0x0  }
0x16: {  	s3 =	sld [smem:$0x3FDB];
	s0 =	simm.s32 @p2 $0x1  }
0x17: {  	s4 =	simm.s32 $0x1BF5;
	[smem:$0x3FAF] =	sst s0  }
0x18: {  	s0 =	sld [smem:$0x3F92];
	_ =	swait.ge [sflag:s4], $0x0  }
0x19: {  	s7 =	sld [smem:$0x3F93]  }
0x1a: {  	s8 =	sadd.s32 $0xFFFFE003, lr  }
0x1b: {  	s9 =	sadd.s32 $0xFFFFFEF7, lr;
	s5 =	simm.s32 $0xFFFFFFFF;
	p2 =	slt.u32 s8, $0xFFFFF086  }
0x1c: {  	p1 =	slt.u32 s9, $0xF7A;
	s5 =	simm.s32 @!p2 $0x0  }
0x1d: {  	s5 =	simm.s32 @p1 $0x1;
	p0 =	seq.s32 s7, s2  }
0x1e: {  	s7 =	smul.u32 @!p0 $0xF7A, s2;
	p2 =	seq.s32 @!p0 s5, $0x0  }
0x1f: {  	s9 =	smul.u32 $0xF7A, s1;
	s8 =	simm.s32 @!p0 $0x1BF5;
	p2 =	por !p2, p0  }
0x20: {  	[sflag:s8] =	ssyncset.s32 @!p0 $0xFFFFF086;
	s6 =	sadd.s32 @!p0 s3, s7;
	s7 =	simm.s32 @!p0 $0x108  }
0x21: {  	s3 =	sadd.s32 s3, s9;
	s6 =	sadd.s32 @!p0 $0x88, s6;
	s7 =	simm.s32 @p2 $0x1082  }
0x22: {  	[simem:s7], [sflag:s8] =	dma.local @!p0 [hbm:s6], $0xF7A  }
0x23: {  	s9 =	sor.u32 $0xD0000000, s2;
	s6 =	simm.s32 $0x108;
	_ =	swait.ge @!p0 [sflag:s8], $0x0  }
0x24: {  	s3 =	sadd.s32 $0x88, s3;
	s6 =	simm.s32 @!p1 $0x1082;
	[sflag:s4] =	ssyncset.s32 $0xFFFFF086  }
0x25: {  	[simem:s6], [sflag:s4] =	dma.local [hbm:s3], $0xF7A  }
0x26: {  	[smem:$0x3F93] =	sst s1;
	(tag) =	ssettag s2;
	_ =	strace s9  }
0x27: {  	s1 =	sld [smem:$0x3FA3]  }
0x28: {  	s2 =	sld [smem:$0x3FA4]  }
0x29: {  	s4 =	sld [smem:$0x3FA6]  }
0x2a: {  	p0 =	seq.s32 s5, $0x0;
	s5 =	sld [smem:$0x3FA7]  }
0x2b: {  	s6 =	sld [smem:$0x3FA8]  }
0x2c: {  	s7 =	sld [smem:$0x3FA9]  }
0x2d: {  	s3 =	simm.s32 $0x108;
	s8 =	sld [smem:$0x3FAA]  }
0x2e: {  	s3 =	simm.s32 @!p0 $0x1082;
	s9 =	sld [smem:$0x3FAB]  }
0x2f: {  	lr =	sadd.s32 s0, s3;
	s0 =	sld [smem:$0x3FA2]  }
0x30: {  	s3 =	sld [smem:$0x3FA5]  }
0x31: {  	[smem:$0x3FAE] =	sst s10  }
0x32: {  	s10 =	sld [smem:$0x3FAC];
	_ =	sdelay $0x3  }
0x33: {  	p0 =	seq.s32 s10, $0x1;
	s10 =	sld [smem:$0x3FAE];
	_ =	sdelay $0x3  }
0x34: {  	[smem:$0x3FAE] =	sst s10  }
0x35: {  	s10 =	sld [smem:$0x3FAD];
	_ =	sdelay $0x3  }
0x36: {  	p1 =	seq.s32 s10, $0x1;
	s10 =	sld [smem:$0x3FAE];
	_ =	sdelay $0x3  }
0x37: {  	[smem:$0x3FAE] =	sst s10  }
0x38: {  	s10 =	sld [smem:$0x3FAF]  }
0x39: {  	_ = 	snop;
	(pc) =	sbr.ind lr, $3  }
0x3a: {  	_ = 	snop  }
0x3b: {  	_ = 	snop  }
0x3c: {  	p2 =	seq.s32 s10, $0x1;
	s10 =	sld [smem:$0x3FAE]  }
0x3d: {  	_ =	shalt  }
0x3e: {  	_ =	shalt  }
0x3f: {  	_ =	shalt  }
0x40: {  	_ =	shalt  }
0x41: {  	_ =	shalt  }
0x42: {  	_ =	shalt  }
0x43: {  	_ =	shalt  }
0x44: {  	_ =	shalt  }
0x45: {  	_ =	shalt  }
0x46: {  	_ =	shalt  }
0x47: {  	_ =	shalt  }
0x48: {  	_ =	shalt  }
0x49: {  	_ =	shalt  }
0x4a: {  	_ =	shalt  }
0x4b: {  	_ =	shalt  }
0x4c: {  	_ =	shalt  }
0x4d: {  	_ =	shalt  }
0x4e: {  	_ =	shalt  }
0x4f: {  	_ =	shalt  }
0x50: {  	_ =	shalt  }
0x51: {  	_ =	shalt  }
0x52: {  	_ =	shalt  }
0x53: {  	_ =	shalt  }
0x54: {  	_ =	shalt  }
0x55: {  	_ =	shalt  }
0x56: {  	_ =	shalt  }
0x57: {  	_ =	shalt  }
0x58: {  	_ =	shalt  }
0x59: {  	_ =	shalt  }
0x5a: {  	_ =	shalt  }
0x5b: {  	_ =	shalt  }
0x5c: {  	_ =	shalt  }
0x5d: {  	_ =	shalt  }
0x5e: {  	_ =	shalt  }
0x5f: {  	_ =	shalt  }
0x60: {  	_ =	shalt  }
0x61: {  	_ =	shalt  }
0x62: {  	_ =	shalt  }
0x63: {  	_ =	shalt  }
0x64: {  	_ =	shalt  }
0x65: {  	_ =	shalt  }
0x66: {  	_ =	shalt  }
0x67: {  	_ =	shalt  }
0x68: {  	_ =	shalt  }
0x69: {  	_ =	shalt  }
0x6a: {  	_ =	shalt  }
0x6b: {  	_ =	shalt  }
0x6c: {  	_ =	shalt  }
0x6d: {  	_ =	shalt  }
0x6e: {  	_ =	shalt  }
0x6f: {  	_ =	shalt  }
0x70: {  	_ =	shalt  }
0x71: {  	_ =	shalt  }
0x72: {  	_ =	shalt  }
0x73: {  	_ =	shalt  }
0x74: {  	_ =	shalt  }
0x75: {  	_ =	shalt  }
0x76: {  	_ =	shalt  }
0x77: {  	_ =	shalt  }
0x78: {  	_ =	shalt  }
0x79: {  	_ =	shalt  }
0x7a: {  	_ =	shalt  }
0x7b: {  	_ =	shalt  }
0x7c: {  	_ =	shalt  }
0x7d: {  	_ =	shalt  }
0x7e: {  	_ =	shalt  }
0x7f: {  	_ =	shalt  }
0x80: {  	_ =	shalt  }
0x81: {  	_ =	shalt  }
0x82: {  	_ =	shalt  }
0x83: {  	_ =	shalt  }
0x84: {  	_ =	shalt  }
0x85: {  	_ =	shalt  }
0x86: {  	_ =	shalt  }
0x87: {  	_ =	shalt  }
.Lfunc_end0:
.L_simem_size_0:
called_computation_lowered:
.L_overlay_start_0:
0x88: {  	s2 =	sld [smem:$0x3FD9]  }
0x89: {  	s3 =	sld [smem:$0x3FFE];
	_ =	sdelay $0x1  }
0x8a: {  	s1 =	srdreg.scid  }
0x8b: {  	s0 =	sand.u32 $0x1, s1  }
0x8c: {  	s17 =	sshll.u32 s0, $0xA;
	s2 =	sadd.s32 s3, s2  }
0x8d: {  	s2 =	sadd.s32 s2, s17  }
0x8e: {  	[smem:$0x3FBA] =	sst s2  }
0x8f: {  	_ = 	snop  }
0x90: {  	s2 =	sld [smem:$0x3FD0];
	(tm) =	ssettm $0x1  }
0x91: {  	s18 =	sld [smem:$0x3FFB];
	_ =	sdelay $0x3  }
0x92: {  	_ =	strace s18  }
0x93: {  	s3 =	sld [smem:$0x3FFC];
	_ =	sdelay $0x3  }
0x94: {  	_ =	strace s3  }
0x95: {  	s3 =	sld [smem:$0x3FFD];
	_ =	sdelay $0x3  }
0x96: {  	_ =	strace s3  }
0x97: {  	_ =	strace $0x8FFFFFFF  }
0x98: {  	s19 =	sld [smem:$0x3FDB];
	_ =	sdelay $0x1  }
0x99: {  	s4 =	simm.s32 $_scs_section_size  }
0x9a: {  	s5 =	simm.s32 $_size__tile_overlayer_lowered;
	s6 =	simm.s32 $_tile_overlayer_lowered  }
0x9b: {  	s22 =	simm.s32 $0x1BFF;
	s21 =	sshll.u32 s6, $0x1;
	s3 =	sadd.s32 s4, s19  }
0x9c: {  	s7 =	simm.s32 $0x0;
	s20 =	sshll.u32 s5, $0x1;
	s5 =	sadd.s32 s21, s3  }
0x9d: {  	[timem:s7], [sflag:s22] =	dma.local [hbm:s5], s20  }
0x9e: {  	_ =	swait.ge [sflag:s22], s20  }
0x9f: {  	s4 =	ssub.s32 $0x0, s20;
	[sflag:s22] =	ssyncset.done $0x0  }
0xa0: {  	[sflag:s22] =	ssyncadd.s32 s4;
	_ =	sdelay $0x1  }
0xa1: {  	s23 =	simm.s32 $0x1B8B  }
0xa2: {  	_ =	swait.ge [sflag:s23], $0x1  }
0xa3: {  	[sflag:s23] =	ssyncset.done $0x0  }
0xa4: {  	s25 =	simm.s32 $0x1B8E;
	s24 =	sld [smem:$0x3FFE];
	[sflag:s23] =	ssyncadd.s32 $0xFFFFFFFF  }
0xa5: {  	s26 =	simm.s32 $execute0_lowered;
	[smem:$0x3FD2] =	sst s25  }
0xa6: {  	s5 =	sshll.u32 s26, $0x1;
	_ =	strace $0x80000046;
	[dreg:$0x1] =	wrdreg $0xFFFFFFFF  }
0xa7: {  	s28 =	simm.s32 $_size_execute0_lowered;
	s3 =	sadd.s32 s3, s5;
	[dreg:$0x0] =	wrdreg $0x0  }
0xa8: {  	s5 =	sshll.u32 s28, $0x1;
	[dreg:$0x2] =	wrdreg s3  }
0xa9: {  	[dreg:$0x3] =	wrdreg s5  }
0xaa: {  	[dreg:$0x4] =	wrdreg $0xC0  }
0xab: {  	_ =	task [dreg:s7], $0x5FFFF  }
0xac: {  	[dreg:$0x1] =	wrdreg $0xFFFFFFFF  }
0xad: {  	[dreg:$0x0] =	wrdreg $0x60  }
0xae: {  	[dreg:$0x2] =	wrdreg s24  }
0xaf: {  	[dreg:$0x3] =	wrdreg s2  }
0xb0: {  	[dreg:$0x4] =	wrdreg $0x41800  }
0xb1: {  	[dreg:$0x5] =	wrdreg $0x9  }
0xb2: {  	_ =	task.clear_ibuf [dreg:s7], $0x6FFFF;
	_ =	strace $0x90000046  }
0xb3: {  	s29 =	simm.s32 $0x9;
	_ =	strace $0x80000048  }
0xb4: {  	_ =	swait.ge [sflag:s29], $0x1  }
0xb5: {  	[sflag:s29] =	ssyncadd.s32 $0xFFFFFFFF  }
0xb6: {  	_ =	strace $0x90000048  }
0xb7: {  	_ =	sfence  }
0xb8: {  	s30 =	sld [smem:$0x0];
	_ =	sdelay $0x2  }
0xb9: {  	s31 =	sshll.u32 s1, $0xD;
	s1 =	sshrl.u32 s1, $0x2  }
0xba: {  	s3 =	sand.u32 $0x4000, s31;
	s1 =	sadd.s32 s1, s30  }
0xbb: {  	s0 =	sor.u32 s3, s0;
	s1 =	sshll.u32 s1, $0x11  }
0xbc: {  	s0 =	sor.u32 s1, s0  }
0xbd: {  	s0 =	sadd.s32 $0x8F2B, s0  }
0xbe: {  	[sflag:s0] =	ssyncadd.remote.s32 $0x1  }
0xbf: {  	_ =	sfence.sel $0xFFFF  }
0xc0: {  	[dreg:$0x0] =	wrdreg $0xFFFFFFFF;
	(pc) =	sbr.abs _section_cstart, $3  }
0xc1: {  	[dreg:$0x1] =	wrdreg $0xFFFFFFFF  }
0xc2: {  	_ =	task.clear_ibuf [dreg:s7], $0x2FFFF;
	_ =	strace $0x9FFFFFFF  }
0xc3: {  	(tm) =	ssettm $0x7FFFFFFF  }
tec
execute0_lowered:
.L_overlay_start_1:
0x0: {  	(tag) =	ssettag $0x1  }
0x1: {  	s7 =	rddreg [dreg:$0x0]  }
0x2: {  	s1 =	rddreg [dreg:$0x1]  }
0x3: {  	s2 =	rddreg [dreg:$0x2]  }
0x4: {  	s3 =	srdreg.scid;
	s0 =	rddreg [dreg:$0x3]  }
0x5: {  	s4 =	simm.s32 $0x0;
	s15 =	simm.s32 $0x3;
	s18 =	simm.s32 $0x1  }
0x6: {  	s19 =	simm.s32 $0x80;
	s20 =	simm.s32 $0x2;
	s8 =	sand.u32 $0x1, s3  }
0x7: {  	s21 =	simm.s32 $0x100;
	s3 =	stileid.u32;
	s6 =	smul.u32 $0x140000, s8  }
0x8: {  	s22 =	simm.s32 $0x10;
	s23 =	simm.s32 $0x0;
	s9 =	smul.u32 $0x14000, s3  }
0x9: {  	[smem:$0x7FF] =	sst s4;
	s5 =	sshll.u32 s3, $0x1;
	s11 =	smul.u32 $0x50000, s3  }
0xa: {  	_ =	strace $0x80000047;
	s29 =	ssub.s32 $0x2, s8;
	s12 =	smul.u32 $0x4E20, s3  }
0xb: {  	s14 =	smul.u32 $0x2710, s8;
	s16 =	sshll.u32 s3, $0x6;
	s10 =	sor.u32 s8, s5  }
0xc: {  	s5 =	sadd.s32 $0xD600, s7;
	s13 =	sshrl.u32 s29, $0x1;
	s16 =	sor.u32 $0x1C03, s16  }
0xd: {  	s9 =	sadd.s32 s9, s6;
	s10 =	smul.u32 $0x2710, s10;
	s6 =	sadd.s32 $0x17400, s7  }
0xe: {  	s13 =	ssub.s32 s29, s13;
	s30 =	sshrl.u32 s11, $0x2;
	s12 =	sadd.s32 s14, s12  }
0xf: {  	s14 =	simm.s32 $0x180;
	s9 =	sshrl.u32 s9, $0x3;
	s17 =	sadd.s32 s30, s2  }
0x10: {  	s31 =	sadd.s32 $0x80, s12;
	s12 =	sadd.s32 $0x100, s12;
	s10 =	sshrl.u32 s10, $0x3  }
0x11: {  	s9 =	sadd.s32 s9, s7;
	s17 =	sshrl.u32 s17, $0x3;
	s7 =	sadd.s32 s5, s10  }
0x12: {  	s9 =	sadd.s32 $0x19C00, s9;
	s10 =	smax.u32 s13, $0x1;
	s13 =	sshrl.u32 s31, $0x3  }
0x13: {  	s8 =	sadd.s32 $0x4E0, s7;
	s11 =	sadd.s32 $0x4D0, s7;
	s13 =	sadd.s32 s13, s5  }
.LBB2_1:
0x14: {  	[tilespmem:s4], [sflag:$0x1] =	stream.linear.gather [hbm4b:s7+s4], $0x80, $0x38;
	[tilespmem:$0x18180] =	vst v63  }
0x15: {  	_ = 	snop  }
0x16: {  	[tilespmem:s14], [sflag:$0x3] =	stream.linear.gather [hbm4b:s1+s4], $0x4000, $0x38;
	[tilespmem:$0x18180] =	vst v63  }
0x17: {  	_ =	swait.ge [sflag:s15], $0x4000  }
0x18: {  	[sflag:s15] =	ssyncset.done $0x0  }
0x19: {  	[sflag:s15] =	ssyncadd.s32 $0xFFFFC000  }
0x1a: {  	[spmem:s17], [sflag:s16] =	dma.local [hbm:s6], $0x2800  }
0x1b: {  	_ =	swait.ge [sflag:s15], $0x2800  }
0x1c: {  	[sflag:s15] =	ssyncset.done $0x0  }
0x1d: {  	[sflag:s15] =	ssyncadd.s32 $0xFFFFD800  }
0x1e: {  	[bflag:$0x0] =	sbarrier.arrive $0xFFFF  }
0x1f: {  	_ =	swait.ge [sflag:s18], $0x80  }
0x20: {  	[sflag:s18] =	ssyncset.done $0x0  }
0x21: {  	s24 =	sadd.s32 $0x0, s13;
	[sflag:s18] =	ssyncadd.s32 $0xFFFFFF80  }
0x22: {  	[tilespmem:s19], [sflag:$0x2] =	stream.linear.gather [hbm4b:s24+s4], $0x80, $0x38;
	[tilespmem:$0x18180] =	vst v63  }
0x23: {  	_ = 	snop  }
0x24: {  	[spmem:s2] =	stream.indirect.scatter.add.f32 [tilespmem:s14], [sflag:$0x3], $0x80, s4, s19, $0xb8;
	[tilespmem:$0x18180] =	vst v63  }
0x25: {  	_ =	swait.ge [sflag:s15], $0x4000  }
0x26: {  	[sflag:s15] =	ssyncset.done $0x0  }
0x27: {  	[sflag:s15] =	ssyncadd.s32 $0xFFFFC000  }
0x28: {  	_ =	swait.ge [sflag:s20], $0x80  }
0x29: {  	s31 =	sshrl.u32 s12, $0x3;
	[sflag:s20] =	ssyncset.done $0x0  }
0x2a: {  	s24 =	sadd.s32 s5, s31;
	[sflag:s20] =	ssyncadd.s32 $0xFFFFFF80  }
0x2b: {  	[tilespmem:s4], [sflag:$0x1] =	stream.linear.gather [hbm4b:s24+s4], $0x80, $0x38;
	[tilespmem:$0x18180] =	vst v63  }
0x2c: {  	_ = 	snop  }
0x2d: {  	[spmem:s2] =	stream.indirect.scatter.add.f32 [tilespmem:s14], [sflag:$0x3], $0x80, s19, s19, $0xb8;
	[tilespmem:$0x18180] =	vst v63  }
0x2e: {  	_ =	swait.ge [sflag:s15], $0x4000  }
0x2f: {  	s25 =	smov.u32 s12;
	s24 =	simm.s32 $0x20;
	[sflag:s15] =	ssyncset.done $0x0  }
.LBB2_2:
0x30: {  	p0 =	sne.s32 s24, $0x4A0;
	[sflag:s15] =	ssyncadd.s32 $0xFFFFC000;
	s25 =	sadd.s32 $0x100, s25  }
0x31: {  	s26 =	smov.u32 s24;
	s24 =	sadd.s32 $0x20, s24  }
0x32: {  	_ =	swait.ge [sflag:s18], $0x80  }
0x33: {  	[sflag:s18] =	ssyncset.done $0x0  }
0x34: {  	s26 =	sadd.s32 s26, s13;
	[sflag:s18] =	ssyncadd.s32 $0xFFFFFF80  }
0x35: {  	[tilespmem:s19], [sflag:$0x2] =	stream.linear.gather [hbm4b:s26+s4], $0x80, $0x38;
	[tilespmem:$0x18180] =	vst v63  }
0x36: {  	_ = 	snop  }
0x37: {  	[spmem:s2] =	stream.indirect.scatter.add.f32 [tilespmem:s14], [sflag:$0x3], $0x80, s4, s19, $0xb8;
	[tilespmem:$0x18180] =	vst v63  }
0x38: {  	_ =	swait.ge [sflag:s15], $0x4000  }
0x39: {  	[sflag:s15] =	ssyncset.done $0x0  }
0x3a: {  	[sflag:s15] =	ssyncadd.s32 $0xFFFFC000  }
0x3b: {  	_ =	swait.ge [sflag:s20], $0x80  }
0x3c: {  	s26 =	sshrl.u32 s25, $0x3;
	[sflag:s20] =	ssyncset.done $0x0  }
0x3d: {  	s26 =	sadd.s32 s5, s26;
	[sflag:s20] =	ssyncadd.s32 $0xFFFFFF80  }
0x3e: {  	[tilespmem:s4], [sflag:$0x1] =	stream.linear.gather [hbm4b:s26+s4], $0x80, $0x38;
	[tilespmem:$0x18180] =	vst v63  }
.Ltmp0:
0x3f: {  	_ = 	snop;
	(pc) =	sbr.rel @p0 .LBB2_2-.Ltmp0, $4  }
0x40: {  	_ = 	snop  }
0x41: {  	[spmem:s2] =	stream.indirect.scatter.add.f32 [tilespmem:s14], [sflag:$0x3], $0x80, s19, s19, $0xb8;
	[tilespmem:$0x18180] =	vst v63  }
0x42: {  	_ =	swait.ge [sflag:s15], $0x4000  }
0x43: {  	[sflag:s15] =	ssyncset.done $0x0  }
0x44: {  	[sflag:s15] =	ssyncadd.s32 $0xFFFFC000  }
0x45: {  	_ =	swait.ge [sflag:s18], $0x80  }
0x46: {  	[sflag:s18] =	ssyncset.done $0x0  }
0x47: {  	[sflag:s18] =	ssyncadd.s32 $0xFFFFFF80  }
0x48: {  	[tilespmem:s19], [sflag:$0x2] =	stream.linear.gather [hbm4b:s11+s4], $0x80, $0x38;
	[tilespmem:$0x18180] =	vst v63  }
0x49: {  	_ = 	snop  }
0x4a: {  	[spmem:s2] =	stream.indirect.scatter.add.f32 [tilespmem:s14], [sflag:$0x3], $0x80, s4, s19, $0xb8;
	[tilespmem:$0x18180] =	vst v63  }
0x4b: {  	_ =	swait.ge [sflag:s15], $0x4000  }
0x4c: {  	[sflag:s15] =	ssyncset.done $0x0  }
0x4d: {  	[sflag:s15] =	ssyncadd.s32 $0xFFFFC000  }
0x4e: {  	_ =	swait.ge [sflag:s20], $0x80  }
0x4f: {  	[sflag:s20] =	ssyncset.done $0x0  }
0x50: {  	[sflag:s20] =	ssyncadd.s32 $0xFFFFFF80  }
0x51: {  	[spmem:s2] =	stream.indirect.scatter.add.f32 [tilespmem:s14], [sflag:$0x3], $0x80, s19, s19, $0xb8;
	[tilespmem:$0x18180] =	vst v63  }
0x52: {  	_ =	swait.ge [sflag:s15], $0x4000  }
0x53: {  	[sflag:s15] =	ssyncset.done $0x0  }
0x54: {  	[sflag:s15] =	ssyncadd.s32 $0xFFFFC000  }
0x55: {  	[tilespmem:s21], [sflag:$0x1] =	stream.linear.gather [hbm4b:s8+s4], $0x10, $0x38;
	[tilespmem:$0x18180] =	vst v63  }
0x56: {  	_ =	swait.ge [sflag:s18], $0x10  }
0x57: {  	[sflag:s18] =	ssyncset.done $0x0  }
0x58: {  	[sflag:s18] =	ssyncadd.s32 $0xFFFFFFF0  }
0x59: {  	[spmem:s2] =	stream.indirect.scatter.add.f32 [tilespmem:s14], [sflag:$0x3], $0x80, s21, s22, $0xb8;
	[tilespmem:$0x18180] =	vst v63  }
0x5a: {  	_ =	swait.ge [sflag:s15], $0x800  }
0x5b: {  	s23 =	sadd.s32 $0x1, s23;
	[sflag:s15] =	ssyncset.done $0x0  }
0x5c: {  	p0 =	sne.s32 s23, s10;
	[sflag:s15] =	ssyncadd.s32 $0xFFFFF800  }
.Ltmp1:
0x5d: {  	[bflag:$0x0] =	sbarrier.arrive $0xFFFF;
	(pc) =	sbr.rel @p0 .LBB2_1-.Ltmp1, $4  }
0x5e: {  	[hbm:s9], [sflag:s16] =	dma.local [spmem:s17], $0x2800  }
0x5f: {  	_ =	swait.ge [sflag:s15], $0x2800  }
0x60: {  	[sflag:s15] =	ssyncset.done $0x0  }
0x61: {  	[sflag:s15] =	ssyncadd.s32 $0xFFFFD800  }
0x62: {  	_ =	sfence.sel $0x180000  }
0x63: {  	[bflag:$0x0] =	sbarrier.arrive $0xFFFF  }
0x64: {  	p0 =	sne.s32 s3, $0x0;
	_ =	strace $0x90000047  }
0x65: {  	s0 =	sadd.s32 @!p0 $0x100000, s0;
	[bflag:$0x2] =	sbarrier.arrive $0xFFFF  }
0x66: {  	[sflag:s0] =	ssyncadd.tile.s32 @!p0 $0x1;
	_ =	shalt  }
.Lfunc_end2:
_tile_overlayer_lowered:
.L_overlay_start_2:
0x67: {  	(tag) =	ssettag $0x2  }
0x68: {  	s0 =	rddreg [dreg:$0x0];
	s2 =	stileid.u32  }
0x69: {  	s1 =	rddreg [dreg:$0x1];
	p0 =	sne.s32 s2, $0x0  }
0x6a: {  	s3 =	rddreg [dreg:$0x2];
	[bflag:$0x3] =	sbarrier.arrive $0xFFFF;
	s2 =	simm.s32 @!p0 $0x1C03  }
0x6b: {  	[timem:s3], [sflag:s2] =	dma.local @!p0 [hbm:s0], s1  }
0x6c: {  	s0 =	simm.s32 @!p0 $0x3  }
0x6d: {  	_ =	swait.ge @!p0 [sflag:s0], s1  }
0x6e: {  	s1 =	ssub.s32 @!p0 $0x0, s1;
	[sflag:s0] =	ssyncset.done @!p0 $0x0  }
0x6f: {  	[sflag:s0] =	ssyncadd.s32 @!p0 s1  }
0x70: {  	[bflag:$0x3] =	sbarrier.arrive $0xFFFF  }
0x71: {  	_ =	shalt  }

// kernel: kernel.13.cloned.1.call-start
scs
__scs_entry_jumppad:
0x0: {  	(pc) =	sbr.rel $0x88, $3  }
0x1: {  	(tag) =	ssettag $0x0;
	lr =	simm.s32 $0x1  }
0x2: {  	[smem:$0x3F93] =	sst lr;
	_ =	strace $0xD0000000  }
0x3: {  	_ = 	snop  }
0x4: {  	_ = 	snop  }
0x5: {  	_ = 	snop  }
0x6: {  	_ = 	snop  }
0x7: {  	_ = 	snop  }
__scs_overlays_trampoline_lowered:
0x8: {  	[smem:$0x3FA2] =	sst s0  }
0x9: {  	[smem:$0x3FA3] =	sst s1  }
0xa: {  	[smem:$0x3FA4] =	sst s2  }
0xb: {  	[smem:$0x3FA5] =	sst s3  }
0xc: {  	[smem:$0x3FA6] =	sst s4  }
0xd: {  	[smem:$0x3FA7] =	sst s5  }
0xe: {  	[smem:$0x3FA8] =	sst s6  }
0xf: {  	[smem:$0x3FA9] =	sst s7  }
0x10: {  	[smem:$0x3FAA] =	sst s8  }
0x11: {  	[smem:$0x3FAB] =	sst s9;
	s0 =	simm.s32 @!p0 $0x0  }
0x12: {  	s1 =	sld [smem:$0x3F91];
	s0 =	simm.s32 @p0 $0x1  }
0x13: {  	[smem:$0x3FAC] =	sst s0;
	s0 =	simm.s32 @!p1 $0x0  }
0x14: {  	s2 =	sld [smem:$0x3F90];
	s0 =	simm.s32 @p1 $0x1  }
0x15: {  	[smem:$0x3FAD] =	sst s0;
	s0 =	simm.s32 @!p2 $0x0  }
0x16: {  	s3 =	sld [smem:$0x3FDB];
	s0 =	simm.s32 @p2 $0x1  }
0x17: {  	s4 =	simm.s32 $0x1BF5;
	[smem:$0x3FAF] =	sst s0  }
0x18: {  	s0 =	sld [smem:$0x3F92];
	_ =	swait.ge [sflag:s4], $0x0  }
0x19: {  	s7 =	sld [smem:$0x3F93]  }
0x1a: {  	s8 =	sadd.s32 $0xFFFFE003, lr  }
0x1b: {  	s9 =	sadd.s32 $0xFFFFFEF7, lr;
	s5 =	simm.s32 $0xFFFFFFFF;
	p2 =	slt.u32 s8, $0xFFFFF086  }
0x1c: {  	p1 =	slt.u32 s9, $0xF7A;
	s5 =	simm.s32 @!p2 $0x0  }
0x1d: {  	s5 =	simm.s32 @p1 $0x1;
	p0 =	seq.s32 s7, s2  }
0x1e: {  	s7 =	smul.u32 @!p0 $0xF7A, s2;
	p2 =	seq.s32 @!p0 s5, $0x0  }
0x1f: {  	s9 =	smul.u32 $0xF7A, s1;
	s8 =	simm.s32 @!p0 $0x1BF5;
	p2 =	por !p2, p0  }
0x20: {  	[sflag:s8] =	ssyncset.s32 @!p0 $0xFFFFF086;
	s6 =	sadd.s32 @!p0 s3, s7;
	s7 =	simm.s32 @!p0 $0x108  }
0x21: {  	s3 =	sadd.s32 s3, s9;
	s6 =	sadd.s32 @!p0 $0x88, s6;
	s7 =	simm.s32 @p2 $0x1082  }
0x22: {  	[simem:s7], [sflag:s8] =	dma.local @!p0 [hbm:s6], $0xF7A  }
0x23: {  	s9 =	sor.u32 $0xD0000000, s2;
	s6 =	simm.s32 $0x108;
	_ =	swait.ge @!p0 [sflag:s8], $0x0  }
0x24: {  	s3 =	sadd.s32 $0x88, s3;
	s6 =	simm.s32 @!p1 $0x1082;
	[sflag:s4] =	ssyncset.s32 $0xFFFFF086  }
0x25: {  	[simem:s6], [sflag:s4] =	dma.local [hbm:s3], $0xF7A  }
0x26: {  	[smem:$0x3F93] =	sst s1;
	(tag) =	ssettag s2;
	_ =	strace s9  }
0x27: {  	s1 =	sld [smem:$0x3FA3]  }
0x28: {  	s2 =	sld [smem:$0x3FA4]  }
0x29: {  	s4 =	sld [smem:$0x3FA6]  }
0x2a: {  	p0 =	seq.s32 s5, $0x0;
	s5 =	sld [smem:$0x3FA7]  }
0x2b: {  	s6 =	sld [smem:$0x3FA8]  }
0x2c: {  	s7 =	sld [smem:$0x3FA9]  }
0x2d: {  	s3 =	simm.s32 $0x108;
	s8 =	sld [smem:$0x3FAA]  }
0x2e: {  	s3 =	simm.s32 @!p0 $0x1082;
	s9 =	sld [smem:$0x3FAB]  }
0x2f: {  	lr =	sadd.s32 s0, s3;
	s0 =	sld [smem:$0x3FA2]  }
0x30: {  	s3 =	sld [smem:$0x3FA5]  }
0x31: {  	[smem:$0x3FAE] =	sst s10  }
0x32: {  	s10 =	sld [smem:$0x3FAC];
	_ =	sdelay $0x3  }
0x33: {  	p0 =	seq.s32 s10, $0x1;
	s10 =	sld [smem:$0x3FAE];
	_ =	sdelay $0x3  }
0x34: {  	[smem:$0x3FAE] =	sst s10  }
0x35: {  	s10 =	sld [smem:$0x3FAD];
	_ =	sdelay $0x3  }
0x36: {  	p1 =	seq.s32 s10, $0x1;
	s10 =	sld [smem:$0x3FAE];
	_ =	sdelay $0x3  }
0x37: {  	[smem:$0x3FAE] =	sst s10  }
0x38: {  	s10 =	sld [smem:$0x3FAF]  }
0x39: {  	_ = 	snop;
	(pc) =	sbr.ind lr, $3  }
0x3a: {  	_ = 	snop  }
0x3b: {  	_ = 	snop  }
0x3c: {  	p2 =	seq.s32 s10, $0x1;
	s10 =	sld [smem:$0x3FAE]  }
0x3d: {  	_ =	shalt  }
0x3e: {  	_ =	shalt  }
0x3f: {  	_ =	shalt  }
0x40: {  	_ =	shalt  }
0x41: {  	_ =	shalt  }
0x42: {  	_ =	shalt  }
0x43: {  	_ =	shalt  }
0x44: {  	_ =	shalt  }
0x45: {  	_ =	shalt  }
0x46: {  	_ =	shalt  }
0x47: {  	_ =	shalt  }
0x48: {  	_ =	shalt  }
0x49: {  	_ =	shalt  }
0x4a: {  	_ =	shalt  }
0x4b: {  	_ =	shalt  }
0x4c: {  	_ =	shalt  }
0x4d: {  	_ =	shalt  }
0x4e: {  	_ =	shalt  }
0x4f: {  	_ =	shalt  }
0x50: {  	_ =	shalt  }
0x51: {  	_ =	shalt  }
0x52: {  	_ =	shalt  }
0x53: {  	_ =	shalt  }
0x54: {  	_ =	shalt  }
0x55: {  	_ =	shalt  }
0x56: {  	_ =	shalt  }
0x57: {  	_ =	shalt  }
0x58: {  	_ =	shalt  }
0x59: {  	_ =	shalt  }
0x5a: {  	_ =	shalt  }
0x5b: {  	_ =	shalt  }
0x5c: {  	_ =	shalt  }
0x5d: {  	_ =	shalt  }
0x5e: {  	_ =	shalt  }
0x5f: {  	_ =	shalt  }
0x60: {  	_ =	shalt  }
0x61: {  	_ =	shalt  }
0x62: {  	_ =	shalt  }
0x63: {  	_ =	shalt  }
0x64: {  	_ =	shalt  }
0x65: {  	_ =	shalt  }
0x66: {  	_ =	shalt  }
0x67: {  	_ =	shalt  }
0x68: {  	_ =	shalt  }
0x69: {  	_ =	shalt  }
0x6a: {  	_ =	shalt  }
0x6b: {  	_ =	shalt  }
0x6c: {  	_ =	shalt  }
0x6d: {  	_ =	shalt  }
0x6e: {  	_ =	shalt  }
0x6f: {  	_ =	shalt  }
0x70: {  	_ =	shalt  }
0x71: {  	_ =	shalt  }
0x72: {  	_ =	shalt  }
0x73: {  	_ =	shalt  }
0x74: {  	_ =	shalt  }
0x75: {  	_ =	shalt  }
0x76: {  	_ =	shalt  }
0x77: {  	_ =	shalt  }
0x78: {  	_ =	shalt  }
0x79: {  	_ =	shalt  }
0x7a: {  	_ =	shalt  }
0x7b: {  	_ =	shalt  }
0x7c: {  	_ =	shalt  }
0x7d: {  	_ =	shalt  }
0x7e: {  	_ =	shalt  }
0x7f: {  	_ =	shalt  }
0x80: {  	_ =	shalt  }
0x81: {  	_ =	shalt  }
0x82: {  	_ =	shalt  }
0x83: {  	_ =	shalt  }
0x84: {  	_ =	shalt  }
0x85: {  	_ =	shalt  }
0x86: {  	_ =	shalt  }
0x87: {  	_ =	shalt  }
.Lfunc_end0:
.L_simem_size_0:
called_computation.1_lowered:
.L_overlay_start_0:
0x88: {  	s2 =	sld [smem:$0x3FD9]  }
0x89: {  	s3 =	sld [smem:$0x3FFE];
	_ =	sdelay $0x1  }
0x8a: {  	s1 =	srdreg.scid  }
0x8b: {  	s0 =	sand.u32 $0x1, s1  }
0x8c: {  	s17 =	sshll.u32 s0, $0xA;
	s2 =	sadd.s32 s3, s2  }
0x8d: {  	s2 =	sadd.s32 s2, s17  }
0x8e: {  	[smem:$0x3FBA] =	sst s2  }
0x8f: {  	_ = 	snop  }
0x90: {  	s2 =	sld [smem:$0x3FD0];
	(tm) =	ssettm $0x1  }
0x91: {  	s18 =	sld [smem:$0x3FFB];
	_ =	sdelay $0x3  }
0x92: {  	_ =	strace s18  }
0x93: {  	s3 =	sld [smem:$0x3FFC];
	_ =	sdelay $0x3  }
0x94: {  	_ =	strace s3  }
0x95: {  	s3 =	sld [smem:$0x3FFD];
	_ =	sdelay $0x3  }
0x96: {  	_ =	strace s3  }
0x97: {  	_ =	strace $0x8FFFFFFF  }
0x98: {  	s19 =	sld [smem:$0x3FDB];
	_ =	sdelay $0x1  }
0x99: {  	s4 =	simm.s32 $_scs_section_size  }
0x9a: {  	s5 =	simm.s32 $_size__tile_overlayer_lowered;
	s6 =	simm.s32 $_tile_overlayer_lowered  }
0x9b: {  	s22 =	simm.s32 $0x1BFF;
	s21 =	sshll.u32 s6, $0x1;
	s3 =	sadd.s32 s4, s19  }
0x9c: {  	s7 =	simm.s32 $0x0;
	s20 =	sshll.u32 s5, $0x1;
	s5 =	sadd.s32 s21, s3  }
0x9d: {  	[timem:s7], [sflag:s22] =	dma.local [hbm:s5], s20  }
0x9e: {  	_ =	swait.ge [sflag:s22], s20  }
0x9f: {  	s4 =	ssub.s32 $0x0, s20;
	[sflag:s22] =	ssyncset.done $0x0  }
0xa0: {  	[sflag:s22] =	ssyncadd.s32 s4;
	_ =	sdelay $0x1  }
0xa1: {  	s23 =	simm.s32 $0x1B8B  }
0xa2: {  	_ =	swait.ge [sflag:s23], $0x1  }
0xa3: {  	[sflag:s23] =	ssyncset.done $0x0  }
0xa4: {  	s25 =	simm.s32 $0x1B8E;
	s24 =	sld [smem:$0x3FFE];
	[sflag:s23] =	ssyncadd.s32 $0xFFFFFFFF  }
0xa5: {  	s26 =	simm.s32 $execute0_lowered;
	[smem:$0x3FD2] =	sst s25  }
0xa6: {  	s5 =	sshll.u32 s26, $0x1;
	_ =	strace $0x80000049;
	[dreg:$0x1] =	wrdreg $0xFFFFFFFF  }
0xa7: {  	s28 =	simm.s32 $_size_execute0_lowered;
	s3 =	sadd.s32 s3, s5;
	[dreg:$0x0] =	wrdreg $0x0  }
0xa8: {  	s5 =	sshll.u32 s28, $0x1;
	[dreg:$0x2] =	wrdreg s3  }
0xa9: {  	[dreg:$0x3] =	wrdreg s5  }
0xaa: {  	[dreg:$0x4] =	wrdreg $0xC0  }
0xab: {  	_ =	task [dreg:s7], $0x5FFFF  }
0xac: {  	[dreg:$0x1] =	wrdreg $0xFFFFFFFF  }
0xad: {  	[dreg:$0x0] =	wrdreg $0x60  }
0xae: {  	[dreg:$0x2] =	wrdreg s2  }
0xaf: {  	[dreg:$0x3] =	wrdreg s24  }
0xb0: {  	[dreg:$0x4] =	wrdreg $0x8B000  }
0xb1: {  	[dreg:$0x5] =	wrdreg $0x9  }
0xb2: {  	_ =	task.clear_ibuf [dreg:s7], $0x6FFFF;
	_ =	strace $0x90000049  }
0xb3: {  	s29 =	simm.s32 $0x9;
	_ =	strace $0x8000004B  }
0xb4: {  	_ =	swait.ge [sflag:s29], $0x1  }
0xb5: {  	[sflag:s29] =	ssyncadd.s32 $0xFFFFFFFF  }
0xb6: {  	_ =	strace $0x9000004B  }
0xb7: {  	_ =	sfence  }
0xb8: {  	s30 =	sld [smem:$0x0];
	_ =	sdelay $0x2  }
0xb9: {  	s31 =	sshll.u32 s1, $0xD;
	s1 =	sshrl.u32 s1, $0x2  }
0xba: {  	s3 =	sand.u32 $0x4000, s31;
	s1 =	sadd.s32 s1, s30  }
0xbb: {  	s0 =	sor.u32 s3, s0;
	s1 =	sshll.u32 s1, $0x11  }
0xbc: {  	s0 =	sor.u32 s1, s0  }
0xbd: {  	s0 =	sadd.s32 $0x8F2B, s0  }
0xbe: {  	[sflag:s0] =	ssyncadd.remote.s32 $0x1  }
0xbf: {  	_ =	sfence.sel $0xFFFF  }
0xc0: {  	[dreg:$0x0] =	wrdreg $0xFFFFFFFF;
	(pc) =	sbr.abs _section_cstart, $3  }
0xc1: {  	[dreg:$0x1] =	wrdreg $0xFFFFFFFF  }
0xc2: {  	_ =	task.clear_ibuf [dreg:s7], $0x2FFFF;
	_ =	strace $0x9FFFFFFF  }
0xc3: {  	(tm) =	ssettm $0x7FFFFFFF  }
tec
execute0_lowered:
.L_overlay_start_1:
0x0: {  	(tag) =	ssettag $0x1  }
0x1: {  	s1 =	rddreg [dreg:$0x0]  }
0x2: {  	s0 =	rddreg [dreg:$0x1]  }
0x3: {  	s2 =	rddreg [dreg:$0x2];
	s3 =	srdreg.scid;
	s4 =	simm.s32 $0x0  }
0x4: {  	s12 =	stileid.u32;
	s28 =	simm.s32 $0x180;
	s29 =	simm.s32 $0x2  }
0x5: {  	s30 =	simm.s32 $0x4300;
	s31 =	simm.s32 $0x3;
	s3 =	sand.u32 $0x1, s3  }
0x6: {  	[smem:$0x7FF] =	sst s4;
	s6 =	smul.u32 $0x14000, s12;
	s7 =	sshll.u32 s12, $0x1  }
0x7: {  	s8 =	sadd.s32 $0x3800, s0;
	s10 =	sadd.s32 $0xD600, s0;
	s9 =	smul.u32 $0x50000, s12  }
0x8: {  	s11 =	sadd.s32 $0x17400, s0;
	s18 =	sshll.u32 s12, $0x6;
	s5 =	smul.u32 $0x140000, s3  }
0x9: {  	s7 =	sor.u32 s3, s7;
	s13 =	ssub.s32 $0x2, s3;
	s3 =	smul.u32 $0x2710, s3  }
0xa: {  	_ =	strace $0x8000004A;
	[dreg:$0x4] =	wrdreg s11;
	s26 =	smul.u32 $0x2710, s7  }
0xb: {  	s14 =	sshrl.u32 s13, $0x1;
	s15 =	sshrl.u32 s9, $0x2;
	s9 =	sor.u32 $0x1C05, s18  }
0xc: {  	s5 =	sadd.s32 s6, s5;
	s7 =	sadd.s32 s15, s2;
	s15 =	smul.u32 $0x4E20, s12  }
0xd: {  	s5 =	sshrl.u32 s5, $0x3;
	s6 =	sshrl.u32 s26, $0x3;
	[dreg:$0x7] =	wrdreg s7  }
0xe: {  	s7 =	simm.s32 $0x8300;
	s0 =	sadd.s32 s5, s0;
	s5 =	ssub.s32 s13, s14  }
0xf: {  	s16 =	sadd.s32 s8, s6;
	s17 =	sadd.s32 s10, s6;
	s19 =	sadd.s32 $0x4E0, s6  }
0x10: {  	s22 =	sadd.s32 $0x10, s6;
	s3 =	sadd.s32 s3, s15;
	[dreg:$0x5] =	wrdreg s16  }
0x11: {  	s24 =	sadd.s32 $0x20, s6;
	s6 =	simm.s32 $0x10;
	[dreg:$0x6] =	wrdreg s17  }
0x12: {  	s20 =	sadd.s32 s8, s19;
	s21 =	sadd.s32 s10, s19;
	s0 =	sadd.s32 $0x19C00, s0  }
0x13: {  	s5 =	smax.u32 s5, $0x1;
	s23 =	sadd.s32 s8, s22;
	[dreg:$0x8] =	wrdreg s20  }
0x14: {  	s15 =	sadd.s32 s10, s22;
	s25 =	sadd.s32 $0x200, s3;
	[dreg:$0x9] =	wrdreg s21  }
0x15: {  	s16 =	sadd.s32 s8, s24;
	s3 =	sadd.s32 $0x180, s3;
	[dreg:$0xa] =	wrdreg s0  }
0x16: {  	s17 =	sadd.s32 s10, s24;
	s22 =	simm.s32 $0x80;
	[dreg:$0xb] =	wrdreg s5  }
0x17: {  	s24 =	simm.s32 $0x1;
	[dreg:$0xc] =	wrdreg s23;
	s5 =	sshrl.u32 s25, $0x3  }
0x18: {  	s26 =	sshrl.u32 s3, $0x3;
	s23 =	simm.s32 $0x5;
	s25 =	simm.s32 $0x300  }
0x19: {  	s0 =	simm.s32 $0x4;
	s3 =	simm.s32 $0x200;
	s18 =	sadd.s32 s5, s10  }
0x1a: {  	s19 =	sadd.s32 s5, s8;
	s20 =	sadd.s32 s26, s10;
	s21 =	sadd.s32 s26, s8  }
0x1b: {  	s26 =	simm.s32 $0x100;
	s5 =	simm.s32 $0x280;
	s8 =	simm.s32 $0x0  }
.LBB2_1:
0x1c: {  	s10 =	rddreg [dreg:$0x5]  }
0x1d: {  	s12 =	rddreg [dreg:$0x6]  }
0x1e: {  	s13 =	rddreg [dreg:$0x7]  }
0x1f: {  	[tilespmem:s4], [sflag:$0x1] =	stream.linear.gather [hbm4b:s10+s4], $0x80, $0x38;
	[tilespmem:$0x1CB00] =	vst v63  }
0x20: {  	s11 =	rddreg [dreg:$0x4];
	s10 =	sshrl.u32 s13, $0x3  }
0x21: {  	[tilespmem:s22], [sflag:$0x1] =	stream.linear.gather [hbm4b:s12+s4], $0x80, $0x38;
	[tilespmem:$0x1CB00] =	vst v63  }
0x22: {  	[spmem:s10], [sflag:s9] =	dma.local [hbm:s11], $0x2800  }
0x23: {  	_ =	swait.ge [sflag:s23], $0x2800  }
0x24: {  	[sflag:s23] =	ssyncset.done $0x0  }
0x25: {  	[sflag:s23] =	ssyncadd.s32 $0xFFFFD800  }
0x26: {  	[bflag:$0x0] =	sbarrier.arrive $0xFFFF  }
0x27: {  	_ =	swait.ge [sflag:s24], $0x80  }
0x28: {  	[sflag:s24] =	ssyncset.done $0x0  }
0x29: {  	[sflag:s24] =	ssyncadd.s32 $0xFFFFFF80  }
0x2a: {  	_ =	swait.ge [sflag:s24], $0x80  }
0x2b: {  	[sflag:s24] =	ssyncset.done $0x0  }
0x2c: {  	[sflag:s24] =	ssyncadd.s32 $0xFFFFFF80  }
0x2d: {  	[tilespmem:s25], [sflag:$0x3] =	stream.indirect.gather [hbm4b:s1+s22], $0x80, s4, s22, $0xb8;
	[tilespmem:$0x1CB00] =	vst v63  }
0x2e: {  	s14 =	rddreg [dreg:$0xc]  }
0x2f: {  	[tilespmem:s26], [sflag:$0x2] =	stream.linear.gather [hbm4b:s14+s4], $0x80, $0x38;
	[tilespmem:$0x1CB00] =	vst v63  }
0x30: {  	_ = 	snop  }
0x31: {  	[tilespmem:s28], [sflag:$0x2] =	stream.linear.gather [hbm4b:s15+s4], $0x80, $0x38;
	[tilespmem:$0x1CB00] =	vst v63  }
0x32: {  	_ =	swait.ge [sflag:s29], $0x80  }
0x33: {  	[sflag:s29] =	ssyncset.done $0x0  }
0x34: {  	[sflag:s29] =	ssyncadd.s32 $0xFFFFFF80  }
0x35: {  	_ =	swait.ge [sflag:s29], $0x80  }
0x36: {  	[sflag:s29] =	ssyncset.done $0x0  }
0x37: {  	[sflag:s29] =	ssyncadd.s32 $0xFFFFFF80  }
0x38: {  	[tilespmem:s30], [sflag:$0x4] =	stream.indirect.gather [hbm4b:s1+s22], $0x80, s26, s22, $0xb8;
	[tilespmem:$0x1CB00] =	vst v63  }
0x39: {  	_ =	swait.ge [sflag:s31], $0x4000  }
0x3a: {  	[sflag:s31] =	ssyncset.done $0x0  }
0x3b: {  	[sflag:s31] =	ssyncadd.s32 $0xFFFFC000  }
0x3c: {  	[spmem:s2] =	stream.indirect.scatter.add.f32 [tilespmem:s25], [sflag:$0x5], $0x80, s22, s22, $0xb8;
	[tilespmem:$0x1CB00] =	vst v63  }
0x3d: {  	_ =	swait.ge [sflag:s23], $0x4000  }
0x3e: {  	[sflag:s23] =	ssyncset.done $0x0  }
0x3f: {  	[sflag:s23] =	ssyncadd.s32 $0xFFFFC000  }
0x40: {  	[tilespmem:s4], [sflag:$0x1] =	stream.linear.gather [hbm4b:s16+s4], $0x80, $0x38;
	[tilespmem:$0x1CB00] =	vst v63  }
0x41: {  	s11 =	simm.s32 $0x0  }
0x42: {  	[tilespmem:s22], [sflag:$0x1] =	stream.linear.gather [hbm4b:s17+s4], $0x80, $0x38;
	[tilespmem:$0x1CB00] =	vst v63  }
.LBB2_2:
0x43: {  	_ =	swait.ge [sflag:s24], $0x80  }
0x44: {  	[sflag:s24] =	ssyncset.done $0x0  }
0x45: {  	[sflag:s24] =	ssyncadd.s32 $0xFFFFFF80  }
0x46: {  	_ =	swait.ge [sflag:s24], $0x80  }
0x47: {  	[sflag:s24] =	ssyncset.done $0x0  }
0x48: {  	[sflag:s24] =	ssyncadd.s32 $0xFFFFFF80  }
0x49: {  	[tilespmem:s25], [sflag:$0x3] =	stream.indirect.gather [hbm4b:s1+s22], $0x80, s4, s22, $0xb8;
	[tilespmem:$0x1CB00] =	vst v63  }
0x4a: {  	_ =	swait.ge [sflag:s0], $0x4000  }
0x4b: {  	[sflag:s0] =	ssyncset.done $0x0  }
0x4c: {  	[sflag:s0] =	ssyncadd.s32 $0xFFFFC000  }
0x4d: {  	[spmem:s2] =	stream.indirect.scatter.add.f32 [tilespmem:s30], [sflag:$0x5], $0x80, s28, s22, $0xb8;
	[tilespmem:$0x1CB00] =	vst v63  }
0x4e: {  	_ =	swait.ge [sflag:s23], $0x4000  }
0x4f: {  	[sflag:s23] =	ssyncset.done $0x0  }
0x50: {  	s12 =	sadd.s32 s11, s21;
	[sflag:s23] =	ssyncadd.s32 $0xFFFFC000  }
0x51: {  	[tilespmem:s26], [sflag:$0x2] =	stream.linear.gather [hbm4b:s12+s4], $0x80, $0x38;
	[tilespmem:$0x1CB00] =	vst v63  }
0x52: {  	s14 =	sadd.s32 s11, s20  }
0x53: {  	[tilespmem:s28], [sflag:$0x2] =	stream.linear.gather [hbm4b:s14+s4], $0x80, $0x38;
	[tilespmem:$0x1CB00] =	vst v63  }
0x54: {  	_ =	swait.ge [sflag:s29], $0x80  }
0x55: {  	[sflag:s29] =	ssyncset.done $0x0  }
0x56: {  	[sflag:s29] =	ssyncadd.s32 $0xFFFFFF80  }
0x57: {  	_ =	swait.ge [sflag:s29], $0x80  }
0x58: {  	[sflag:s29] =	ssyncset.done $0x0  }
0x59: {  	[sflag:s29] =	ssyncadd.s32 $0xFFFFFF80  }
0x5a: {  	[tilespmem:s30], [sflag:$0x4] =	stream.indirect.gather [hbm4b:s1+s22], $0x80, s26, s22, $0xb8;
	[tilespmem:$0x1CB00] =	vst v63  }
0x5b: {  	_ =	swait.ge [sflag:s31], $0x4000  }
0x5c: {  	[sflag:s31] =	ssyncset.done $0x0  }
0x5d: {  	[sflag:s31] =	ssyncadd.s32 $0xFFFFC000  }
0x5e: {  	[spmem:s2] =	stream.indirect.scatter.add.f32 [tilespmem:s25], [sflag:$0x5], $0x80, s22, s22, $0xb8;
	[tilespmem:$0x1CB00] =	vst v63  }
0x5f: {  	_ =	swait.ge [sflag:s23], $0x4000  }
0x60: {  	p0 =	seq.s32 s11, $0x4A0;
	[sflag:s23] =	ssyncset.done $0x0  }
0x61: {  	s13 =	simm.s32 @!p0 $0x0;
	s12 =	sadd.s32 @!p0 s11, s19;
	[sflag:s23] =	ssyncadd.s32 $0xFFFFC000  }
0x62: {  	[tilespmem:s13], [sflag:$0x1] =	stream.linear.gather @!p0 [hbm4b:s12+s13], $0x80, $0x38;
	[tilespmem:$0x1CB00] =	vst v63  }
0x63: {  	s12 =	sadd.s32 @!p0 s11, s18;
	s11 =	sadd.s32 @!p0 $0x20, s11  }
0x64: {  	s14 =	simm.s32 @!p0 $0x80;
	p1 =	sne.s32 @!p0 s11, $0x4C0  }
0x65: {  	[tilespmem:s14], [sflag:$0x1] =	stream.linear.gather @!p0 [hbm4b:s12+s13], $0x80, $0x38;
	[tilespmem:$0x1CB00] =	vst v63  }
0x66: {  	p0 =	por p0, !p1  }
.Ltmp0:
0x67: {  	_ = 	snop;
	(pc) =	sbr.rel @!p0 .LBB2_2-.Ltmp0, $1  }
0x68: {  	_ =	sdelay $0x3  }
0x69: {  	s11 =	rddreg [dreg:$0x8]  }
0x6a: {  	[tilespmem:s3], [sflag:$0x1] =	stream.linear.gather [hbm4b:s11+s4], $0x10, $0x38;
	[tilespmem:$0x1CB00] =	vst v63  }
0x6b: {  	s12 =	rddreg [dreg:$0x9]  }
0x6c: {  	[tilespmem:s5], [sflag:$0x1] =	stream.linear.gather [hbm4b:s12+s4], $0x10, $0x38;
	[tilespmem:$0x1CB00] =	vst v63  }
0x6d: {  	_ =	swait.ge [sflag:s0], $0x4000  }
0x6e: {  	[sflag:s0] =	ssyncset.done $0x0  }
0x6f: {  	[sflag:s0] =	ssyncadd.s32 $0xFFFFC000  }
0x70: {  	[spmem:s2] =	stream.indirect.scatter.add.f32 [tilespmem:s30], [sflag:$0x5], $0x80, s28, s22, $0xb8;
	[tilespmem:$0x1CB00] =	vst v63  }
0x71: {  	_ =	swait.ge [sflag:s23], $0x4000  }
0x72: {  	[sflag:s23] =	ssyncset.done $0x0  }
0x73: {  	[sflag:s23] =	ssyncadd.s32 $0xFFFFC000  }
0x74: {  	_ =	swait.ge [sflag:s24], $0x10  }
0x75: {  	[sflag:s24] =	ssyncset.done $0x0  }
0x76: {  	[sflag:s24] =	ssyncadd.s32 $0xFFFFFFF0  }
0x77: {  	_ =	swait.ge [sflag:s24], $0x10  }
0x78: {  	[sflag:s24] =	ssyncset.done $0x0  }
0x79: {  	[sflag:s24] =	ssyncadd.s32 $0xFFFFFFF0  }
0x7a: {  	[tilespmem:s7], [sflag:$0x3] =	stream.indirect.gather [hbm4b:s1+s6], $0x80, s3, s6, $0xb8;
	[tilespmem:$0x1CB00] =	vst v63  }
0x7b: {  	_ =	swait.ge [sflag:s31], $0x800  }
0x7c: {  	[sflag:s31] =	ssyncset.done $0x0  }
0x7d: {  	[sflag:s31] =	ssyncadd.s32 $0xFFFFF800  }
0x7e: {  	[spmem:s2] =	stream.indirect.scatter.add.f32 [tilespmem:s7], [sflag:$0x5], $0x80, s5, s6, $0xb8;
	[tilespmem:$0x1CB00] =	vst v63  }
0x7f: {  	_ =	swait.ge [sflag:s23], $0x800  }
0x80: {  	[sflag:s23] =	ssyncset.done $0x0  }
0x81: {  	[sflag:s23] =	ssyncadd.s32 $0xFFFFF800  }
0x82: {  	[bflag:$0x0] =	sbarrier.arrive $0xFFFF  }
0x83: {  	s13 =	rddreg [dreg:$0xa]  }
0x84: {  	[hbm:s13], [sflag:s9] =	dma.local [spmem:s10], $0x2800  }
0x85: {  	_ =	swait.ge [sflag:s23], $0x2800  }
0x86: {  	s8 =	sadd.s32 $0x1, s8;
	s14 =	rddreg [dreg:$0xb]  }
0x87: {  	p0 =	sne.s32 s8, s14  }
.Ltmp1:
0x88: {  	_ = 	snop;
	(pc) =	sbr.rel @p0 .LBB2_1-.Ltmp1, $3  }
0x89: {  	_ =	sdelay $0x1  }
0x8a: {  	[sflag:s23] =	ssyncset.done $0x0  }
0x8b: {  	[sflag:s23] =	ssyncadd.s32 $0xFFFFD800  }
0x8c: {  	_ =	sfence.sel $0x180000  }
0x8d: {  	[bflag:$0x0] =	sbarrier.arrive $0xFFFF  }
0x8e: {  	_ =	strace $0x9000004A  }
0x8f: {  	s0 =	stileid.u32;
	[bflag:$0x2] =	sbarrier.arrive $0xFFFF  }
0x90: {  	p0 =	sne.s32 s0, $0x0;
	s0 =	rddreg [dreg:$0x3]  }
0x91: {  	s0 =	sadd.s32 @!p0 $0x100000, s0  }
0x92: {  	[sflag:s0] =	ssyncadd.tile.s32 @!p0 $0x1;
	_ =	shalt  }
.Lfunc_end2:
_tile_overlayer_lowered:
.L_overlay_start_2:
0x93: {  	(tag) =	ssettag $0x2  }
0x94: {  	s0 =	rddreg [dreg:$0x0];
	s2 =	stileid.u32  }
0x95: {  	s1 =	rddreg [dreg:$0x1];
	p0 =	sne.s32 s2, $0x0  }
0x96: {  	s3 =	rddreg [dreg:$0x2];
	[bflag:$0x3] =	sbarrier.arrive $0xFFFF;
	s2 =	simm.s32 @!p0 $0x1C05  }
0x97: {  	[timem:s3], [sflag:s2] =	dma.local @!p0 [hbm:s0], s1  }
0x98: {  	s0 =	simm.s32 @!p0 $0x5  }
0x99: {  	_ =	swait.ge @!p0 [sflag:s0], s1  }
0x9a: {  	s1 =	ssub.s32 @!p0 $0x0, s1;
	[sflag:s0] =	ssyncset.done @!p0 $0x0  }
0x9b: {  	[sflag:s0] =	ssyncadd.s32 @!p0 s1  }
0x9c: {  	[bflag:$0x3] =	sbarrier.arrive $0xFFFF  }
0x9d: {  	_ =	shalt  }

// kernel: kernel.16.cloned.1.call-start
scs
__scs_entry_jumppad:
0x0: {  	(pc) =	sbr.rel $0x88, $3  }
0x1: {  	(tag) =	ssettag $0x0;
	lr =	simm.s32 $0x1  }
0x2: {  	[smem:$0x3F93] =	sst lr;
	_ =	strace $0xD0000000  }
0x3: {  	_ = 	snop  }
0x4: {  	_ = 	snop  }
0x5: {  	_ = 	snop  }
0x6: {  	_ = 	snop  }
0x7: {  	_ = 	snop  }
__scs_overlays_trampoline_lowered:
0x8: {  	[smem:$0x3FA2] =	sst s0  }
0x9: {  	[smem:$0x3FA3] =	sst s1  }
0xa: {  	[smem:$0x3FA4] =	sst s2  }
0xb: {  	[smem:$0x3FA5] =	sst s3  }
0xc: {  	[smem:$0x3FA6] =	sst s4  }
0xd: {  	[smem:$0x3FA7] =	sst s5  }
0xe: {  	[smem:$0x3FA8] =	sst s6  }
0xf: {  	[smem:$0x3FA9] =	sst s7  }
0x10: {  	[smem:$0x3FAA] =	sst s8  }
0x11: {  	[smem:$0x3FAB] =	sst s9;
	s0 =	simm.s32 @!p0 $0x0  }
0x12: {  	s1 =	sld [smem:$0x3F91];
	s0 =	simm.s32 @p0 $0x1  }
0x13: {  	[smem:$0x3FAC] =	sst s0;
	s0 =	simm.s32 @!p1 $0x0  }
0x14: {  	s2 =	sld [smem:$0x3F90];
	s0 =	simm.s32 @p1 $0x1  }
0x15: {  	[smem:$0x3FAD] =	sst s0;
	s0 =	simm.s32 @!p2 $0x0  }
0x16: {  	s3 =	sld [smem:$0x3FDB];
	s0 =	simm.s32 @p2 $0x1  }
0x17: {  	s4 =	simm.s32 $0x1BF5;
	[smem:$0x3FAF] =	sst s0  }
0x18: {  	s0 =	sld [smem:$0x3F92];
	_ =	swait.ge [sflag:s4], $0x0  }
0x19: {  	s7 =	sld [smem:$0x3F93]  }
0x1a: {  	s8 =	sadd.s32 $0xFFFFE003, lr  }
0x1b: {  	s9 =	sadd.s32 $0xFFFFFEF7, lr;
	s5 =	simm.s32 $0xFFFFFFFF;
	p2 =	slt.u32 s8, $0xFFFFF086  }
0x1c: {  	p1 =	slt.u32 s9, $0xF7A;
	s5 =	simm.s32 @!p2 $0x0  }
0x1d: {  	s5 =	simm.s32 @p1 $0x1;
	p0 =	seq.s32 s7, s2  }
0x1e: {  	s7 =	smul.u32 @!p0 $0xF7A, s2;
	p2 =	seq.s32 @!p0 s5, $0x0  }
0x1f: {  	s9 =	smul.u32 $0xF7A, s1;
	s8 =	simm.s32 @!p0 $0x1BF5;
	p2 =	por !p2, p0  }
0x20: {  	[sflag:s8] =	ssyncset.s32 @!p0 $0xFFFFF086;
	s6 =	sadd.s32 @!p0 s3, s7;
	s7 =	simm.s32 @!p0 $0x108  }
0x21: {  	s3 =	sadd.s32 s3, s9;
	s6 =	sadd.s32 @!p0 $0x88, s6;
	s7 =	simm.s32 @p2 $0x1082  }
0x22: {  	[simem:s7], [sflag:s8] =	dma.local @!p0 [hbm:s6], $0xF7A  }
0x23: {  	s9 =	sor.u32 $0xD0000000, s2;
	s6 =	simm.s32 $0x108;
	_ =	swait.ge @!p0 [sflag:s8], $0x0  }
0x24: {  	s3 =	sadd.s32 $0x88, s3;
	s6 =	simm.s32 @!p1 $0x1082;
	[sflag:s4] =	ssyncset.s32 $0xFFFFF086  }
0x25: {  	[simem:s6], [sflag:s4] =	dma.local [hbm:s3], $0xF7A  }
0x26: {  	[smem:$0x3F93] =	sst s1;
	(tag) =	ssettag s2;
	_ =	strace s9  }
0x27: {  	s1 =	sld [smem:$0x3FA3]  }
0x28: {  	s2 =	sld [smem:$0x3FA4]  }
0x29: {  	s4 =	sld [smem:$0x3FA6]  }
0x2a: {  	p0 =	seq.s32 s5, $0x0;
	s5 =	sld [smem:$0x3FA7]  }
0x2b: {  	s6 =	sld [smem:$0x3FA8]  }
0x2c: {  	s7 =	sld [smem:$0x3FA9]  }
0x2d: {  	s3 =	simm.s32 $0x108;
	s8 =	sld [smem:$0x3FAA]  }
0x2e: {  	s3 =	simm.s32 @!p0 $0x1082;
	s9 =	sld [smem:$0x3FAB]  }
0x2f: {  	lr =	sadd.s32 s0, s3;
	s0 =	sld [smem:$0x3FA2]  }
0x30: {  	s3 =	sld [smem:$0x3FA5]  }
0x31: {  	[smem:$0x3FAE] =	sst s10  }
0x32: {  	s10 =	sld [smem:$0x3FAC];
	_ =	sdelay $0x3  }
0x33: {  	p0 =	seq.s32 s10, $0x1;
	s10 =	sld [smem:$0x3FAE];
	_ =	sdelay $0x3  }
0x34: {  	[smem:$0x3FAE] =	sst s10  }
0x35: {  	s10 =	sld [smem:$0x3FAD];
	_ =	sdelay $0x3  }
0x36: {  	p1 =	seq.s32 s10, $0x1;
	s10 =	sld [smem:$0x3FAE];
	_ =	sdelay $0x3  }
0x37: {  	[smem:$0x3FAE] =	sst s10  }
0x38: {  	s10 =	sld [smem:$0x3FAF]  }
0x39: {  	_ = 	snop;
	(pc) =	sbr.ind lr, $3  }
0x3a: {  	_ = 	snop  }
0x3b: {  	_ = 	snop  }
0x3c: {  	p2 =	seq.s32 s10, $0x1;
	s10 =	sld [smem:$0x3FAE]  }
0x3d: {  	_ =	shalt  }
0x3e: {  	_ =	shalt  }
0x3f: {  	_ =	shalt  }
0x40: {  	_ =	shalt  }
0x41: {  	_ =	shalt  }
0x42: {  	_ =	shalt  }
0x43: {  	_ =	shalt  }
0x44: {  	_ =	shalt  }
0x45: {  	_ =	shalt  }
0x46: {  	_ =	shalt  }
0x47: {  	_ =	shalt  }
0x48: {  	_ =	shalt  }
0x49: {  	_ =	shalt  }
0x4a: {  	_ =	shalt  }
0x4b: {  	_ =	shalt  }
0x4c: {  	_ =	shalt  }
0x4d: {  	_ =	shalt  }
0x4e: {  	_ =	shalt  }
0x4f: {  	_ =	shalt  }
0x50: {  	_ =	shalt  }
0x51: {  	_ =	shalt  }
0x52: {  	_ =	shalt  }
0x53: {  	_ =	shalt  }
0x54: {  	_ =	shalt  }
0x55: {  	_ =	shalt  }
0x56: {  	_ =	shalt  }
0x57: {  	_ =	shalt  }
0x58: {  	_ =	shalt  }
0x59: {  	_ =	shalt  }
0x5a: {  	_ =	shalt  }
0x5b: {  	_ =	shalt  }
0x5c: {  	_ =	shalt  }
0x5d: {  	_ =	shalt  }
0x5e: {  	_ =	shalt  }
0x5f: {  	_ =	shalt  }
0x60: {  	_ =	shalt  }
0x61: {  	_ =	shalt  }
0x62: {  	_ =	shalt  }
0x63: {  	_ =	shalt  }
0x64: {  	_ =	shalt  }
0x65: {  	_ =	shalt  }
0x66: {  	_ =	shalt  }
0x67: {  	_ =	shalt  }
0x68: {  	_ =	shalt  }
0x69: {  	_ =	shalt  }
0x6a: {  	_ =	shalt  }
0x6b: {  	_ =	shalt  }
0x6c: {  	_ =	shalt  }
0x6d: {  	_ =	shalt  }
0x6e: {  	_ =	shalt  }
0x6f: {  	_ =	shalt  }
0x70: {  	_ =	shalt  }
0x71: {  	_ =	shalt  }
0x72: {  	_ =	shalt  }
0x73: {  	_ =	shalt  }
0x74: {  	_ =	shalt  }
0x75: {  	_ =	shalt  }
0x76: {  	_ =	shalt  }
0x77: {  	_ =	shalt  }
0x78: {  	_ =	shalt  }
0x79: {  	_ =	shalt  }
0x7a: {  	_ =	shalt  }
0x7b: {  	_ =	shalt  }
0x7c: {  	_ =	shalt  }
0x7d: {  	_ =	shalt  }
0x7e: {  	_ =	shalt  }
0x7f: {  	_ =	shalt  }
0x80: {  	_ =	shalt  }
0x81: {  	_ =	shalt  }
0x82: {  	_ =	shalt  }
0x83: {  	_ =	shalt  }
0x84: {  	_ =	shalt  }
0x85: {  	_ =	shalt  }
0x86: {  	_ =	shalt  }
0x87: {  	_ =	shalt  }
.Lfunc_end0:
.L_simem_size_0:
called_computation.2_lowered:
.L_overlay_start_0:
0x88: {  	s2 =	sld [smem:$0x3FD9]  }
0x89: {  	s3 =	sld [smem:$0x3FFE];
	_ =	sdelay $0x1  }
0x8a: {  	s1 =	srdreg.scid  }
0x8b: {  	s0 =	sand.u32 $0x1, s1  }
0x8c: {  	s17 =	sshll.u32 s0, $0xA;
	s2 =	sadd.s32 s3, s2  }
0x8d: {  	s2 =	sadd.s32 s2, s17  }
0x8e: {  	[smem:$0x3FBA] =	sst s2  }
0x8f: {  	_ = 	snop  }
0x90: {  	s2 =	sld [smem:$0x3FD0];
	(tm) =	ssettm $0x1  }
0x91: {  	s18 =	sld [smem:$0x3FFB];
	_ =	sdelay $0x3  }
0x92: {  	_ =	strace s18  }
0x93: {  	s3 =	sld [smem:$0x3FFC];
	_ =	sdelay $0x3  }
0x94: {  	_ =	strace s3  }
0x95: {  	s3 =	sld [smem:$0x3FFD];
	_ =	sdelay $0x3  }
0x96: {  	_ =	strace s3  }
0x97: {  	_ =	strace $0x8FFFFFFF  }
0x98: {  	s19 =	sld [smem:$0x3FDB];
	_ =	sdelay $0x1  }
0x99: {  	s4 =	simm.s32 $_scs_section_size  }
0x9a: {  	s5 =	simm.s32 $_size__tile_overlayer_lowered;
	s6 =	simm.s32 $_tile_overlayer_lowered  }
0x9b: {  	s22 =	simm.s32 $0x1BFF;
	s21 =	sshll.u32 s6, $0x1;
	s3 =	sadd.s32 s4, s19  }
0x9c: {  	s7 =	simm.s32 $0x0;
	s20 =	sshll.u32 s5, $0x1;
	s5 =	sadd.s32 s21, s3  }
0x9d: {  	[timem:s7], [sflag:s22] =	dma.local [hbm:s5], s20  }
0x9e: {  	_ =	swait.ge [sflag:s22], s20  }
0x9f: {  	s4 =	ssub.s32 $0x0, s20;
	[sflag:s22] =	ssyncset.done $0x0  }
0xa0: {  	[sflag:s22] =	ssyncadd.s32 s4;
	_ =	sdelay $0x1  }
0xa1: {  	s23 =	simm.s32 $0x1B8B  }
0xa2: {  	_ =	swait.ge [sflag:s23], $0x1  }
0xa3: {  	[sflag:s23] =	ssyncset.done $0x0  }
0xa4: {  	s25 =	simm.s32 $0x1B8E;
	s24 =	sld [smem:$0x3FFE];
	[sflag:s23] =	ssyncadd.s32 $0xFFFFFFFF  }
0xa5: {  	s26 =	simm.s32 $execute0_lowered;
	[smem:$0x3FD2] =	sst s25  }
0xa6: {  	s5 =	sshll.u32 s26, $0x1;
	_ =	strace $0x8000004C;
	[dreg:$0x1] =	wrdreg $0xFFFFFFFF  }
0xa7: {  	s28 =	simm.s32 $_size_execute0_lowered;
	s3 =	sadd.s32 s3, s5;
	[dreg:$0x0] =	wrdreg $0x0  }
0xa8: {  	s5 =	sshll.u32 s28, $0x1;
	[dreg:$0x2] =	wrdreg s3  }
0xa9: {  	[dreg:$0x3] =	wrdreg s5  }
0xaa: {  	[dreg:$0x4] =	wrdreg $0xC0  }
0xab: {  	_ =	task [dreg:s7], $0x5FFFF  }
0xac: {  	[dreg:$0x1] =	wrdreg $0xFFFFFFFF  }
0xad: {  	[dreg:$0x0] =	wrdreg $0x60  }
0xae: {  	[dreg:$0x2] =	wrdreg s2  }
0xaf: {  	[dreg:$0x3] =	wrdreg s24  }
0xb0: {  	[dreg:$0x4] =	wrdreg $0x8B000  }
0xb1: {  	[dreg:$0x5] =	wrdreg $0x9  }
0xb2: {  	_ =	task.clear_ibuf [dreg:s7], $0x6FFFF;
	_ =	strace $0x9000004C  }
0xb3: {  	s29 =	simm.s32 $0x9;
	_ =	strace $0x8000004E  }
0xb4: {  	_ =	swait.ge [sflag:s29], $0x1  }
0xb5: {  	[sflag:s29] =	ssyncadd.s32 $0xFFFFFFFF  }
0xb6: {  	_ =	strace $0x9000004E  }
0xb7: {  	_ =	sfence  }
0xb8: {  	s30 =	sld [smem:$0x0];
	_ =	sdelay $0x2  }
0xb9: {  	s31 =	sshll.u32 s1, $0xD;
	s1 =	sshrl.u32 s1, $0x2  }
0xba: {  	s3 =	sand.u32 $0x4000, s31;
	s1 =	sadd.s32 s1, s30  }
0xbb: {  	s0 =	sor.u32 s3, s0;
	s1 =	sshll.u32 s1, $0x11  }
0xbc: {  	s0 =	sor.u32 s1, s0  }
0xbd: {  	s0 =	sadd.s32 $0x8F2B, s0  }
0xbe: {  	[sflag:s0] =	ssyncadd.remote.s32 $0x1  }
0xbf: {  	_ =	sfence.sel $0xFFFF  }
0xc0: {  	[dreg:$0x0] =	wrdreg $0xFFFFFFFF;
	(pc) =	sbr.abs _section_cstart, $3  }
0xc1: {  	[dreg:$0x1] =	wrdreg $0xFFFFFFFF  }
0xc2: {  	_ =	task.clear_ibuf [dreg:s7], $0x2FFFF;
	_ =	strace $0x9FFFFFFF  }
0xc3: {  	(tm) =	ssettm $0x7FFFFFFF  }
tec
execute0_lowered:
.L_overlay_start_1:
0x0: {  	(tag) =	ssettag $0x1  }
0x1: {  	s1 =	rddreg [dreg:$0x0]  }
0x2: {  	s0 =	rddreg [dreg:$0x1]  }
0x3: {  	s2 =	rddreg [dreg:$0x2];
	s3 =	srdreg.scid;
	s4 =	simm.s32 $0x0  }
0x4: {  	s12 =	stileid.u32;
	s28 =	simm.s32 $0x180;
	s29 =	simm.s32 $0x2  }
0x5: {  	s30 =	simm.s32 $0x4300;
	s31 =	simm.s32 $0x3;
	s3 =	sand.u32 $0x1, s3  }
0x6: {  	[smem:$0x7FF] =	sst s4;
	s6 =	smul.u32 $0x14000, s12;
	s7 =	sshll.u32 s12, $0x1  }
0x7: {  	s8 =	sadd.s32 $0x3800, s0;
	s10 =	sadd.s32 $0xD600, s0;
	s9 =	smul.u32 $0x50000, s12  }
0x8: {  	s11 =	sadd.s32 $0x17400, s0;
	s18 =	sshll.u32 s12, $0x6;
	s5 =	smul.u32 $0x140000, s3  }
0x9: {  	s7 =	sor.u32 s3, s7;
	s13 =	ssub.s32 $0x2, s3;
	s3 =	smul.u32 $0x2710, s3  }
0xa: {  	_ =	strace $0x8000004D;
	[dreg:$0x4] =	wrdreg s11;
	s26 =	smul.u32 $0x2710, s7  }
0xb: {  	s14 =	sshrl.u32 s13, $0x1;
	s15 =	sshrl.u32 s9, $0x2;
	s9 =	sor.u32 $0x1C05, s18  }
0xc: {  	s5 =	sadd.s32 s6, s5;
	s7 =	sadd.s32 s15, s2;
	s15 =	smul.u32 $0x4E20, s12  }
0xd: {  	s5 =	sshrl.u32 s5, $0x3;
	s6 =	sshrl.u32 s26, $0x3;
	[dreg:$0x7] =	wrdreg s7  }
0xe: {  	s7 =	simm.s32 $0x8300;
	s0 =	sadd.s32 s5, s0;
	s5 =	ssub.s32 s13, s14  }
0xf: {  	s16 =	sadd.s32 s8, s6;
	s17 =	sadd.s32 s10, s6;
	s19 =	sadd.s32 $0x4E0, s6  }
0x10: {  	s22 =	sadd.s32 $0x10, s6;
	s3 =	sadd.s32 s3, s15;
	[dreg:$0x5] =	wrdreg s16  }
0x11: {  	s24 =	sadd.s32 $0x20, s6;
	s6 =	simm.s32 $0x10;
	[dreg:$0x6] =	wrdreg s17  }
0x12: {  	s20 =	sadd.s32 s8, s19;
	s21 =	sadd.s32 s10, s19;
	s0 =	sadd.s32 $0x19C00, s0  }
0x13: {  	s5 =	smax.u32 s5, $0x1;
	s23 =	sadd.s32 s8, s22;
	[dreg:$0x8] =	wrdreg s20  }
0x14: {  	s15 =	sadd.s32 s10, s22;
	s25 =	sadd.s32 $0x200, s3;
	[dreg:$0x9] =	wrdreg s21  }
0x15: {  	s16 =	sadd.s32 s8, s24;
	s3 =	sadd.s32 $0x180, s3;
	[dreg:$0xa] =	wrdreg s0  }
0x16: {  	s17 =	sadd.s32 s10, s24;
	s22 =	simm.s32 $0x80;
	[dreg:$0xb] =	wrdreg s5  }
0x17: {  	s24 =	simm.s32 $0x1;
	[dreg:$0xc] =	wrdreg s23;
	s5 =	sshrl.u32 s25, $0x3  }
0x18: {  	s26 =	sshrl.u32 s3, $0x3;
	s23 =	simm.s32 $0x5;
	s25 =	simm.s32 $0x300  }
0x19: {  	s0 =	simm.s32 $0x4;
	s3 =	simm.s32 $0x200;
	s18 =	sadd.s32 s5, s10  }
0x1a: {  	s19 =	sadd.s32 s5, s8;
	s20 =	sadd.s32 s26, s10;
	s21 =	sadd.s32 s26, s8  }
0x1b: {  	s26 =	simm.s32 $0x100;
	s5 =	simm.s32 $0x280;
	s8 =	simm.s32 $0x0  }
.LBB2_1:
0x1c: {  	s10 =	rddreg [dreg:$0x5]  }
0x1d: {  	s12 =	rddreg [dreg:$0x6]  }
0x1e: {  	s13 =	rddreg [dreg:$0x7]  }
0x1f: {  	[tilespmem:s4], [sflag:$0x1] =	stream.linear.gather [hbm4b:s10+s4], $0x80, $0x38;
	[tilespmem:$0x1CB00] =	vst v63  }
0x20: {  	s11 =	rddreg [dreg:$0x4];
	s10 =	sshrl.u32 s13, $0x3  }
0x21: {  	[tilespmem:s22], [sflag:$0x1] =	stream.linear.gather [hbm4b:s12+s4], $0x80, $0x38;
	[tilespmem:$0x1CB00] =	vst v63  }
0x22: {  	[spmem:s10], [sflag:s9] =	dma.local [hbm:s11], $0x2800  }
0x23: {  	_ =	swait.ge [sflag:s23], $0x2800  }
0x24: {  	[sflag:s23] =	ssyncset.done $0x0  }
0x25: {  	[sflag:s23] =	ssyncadd.s32 $0xFFFFD800  }
0x26: {  	[bflag:$0x0] =	sbarrier.arrive $0xFFFF  }
0x27: {  	_ =	swait.ge [sflag:s24], $0x80  }
0x28: {  	[sflag:s24] =	ssyncset.done $0x0  }
0x29: {  	[sflag:s24] =	ssyncadd.s32 $0xFFFFFF80  }
0x2a: {  	_ =	swait.ge [sflag:s24], $0x80  }
0x2b: {  	[sflag:s24] =	ssyncset.done $0x0  }
0x2c: {  	[sflag:s24] =	ssyncadd.s32 $0xFFFFFF80  }
0x2d: {  	[tilespmem:s25], [sflag:$0x3] =	stream.indirect.gather [hbm4b:s1+s22], $0x80, s4, s22, $0xb8;
	[tilespmem:$0x1CB00] =	vst v63  }
0x2e: {  	s14 =	rddreg [dreg:$0xc]  }
0x2f: {  	[tilespmem:s26], [sflag:$0x2] =	stream.linear.gather [hbm4b:s14+s4], $0x80, $0x38;
	[tilespmem:$0x1CB00] =	vst v63  }
0x30: {  	_ = 	snop  }
0x31: {  	[tilespmem:s28], [sflag:$0x2] =	stream.linear.gather [hbm4b:s15+s4], $0x80, $0x38;
	[tilespmem:$0x1CB00] =	vst v63  }
0x32: {  	_ =	swait.ge [sflag:s29], $0x80  }
0x33: {  	[sflag:s29] =	ssyncset.done $0x0  }
0x34: {  	[sflag:s29] =	ssyncadd.s32 $0xFFFFFF80  }
0x35: {  	_ =	swait.ge [sflag:s29], $0x80  }
0x36: {  	[sflag:s29] =	ssyncset.done $0x0  }
0x37: {  	[sflag:s29] =	ssyncadd.s32 $0xFFFFFF80  }
0x38: {  	[tilespmem:s30], [sflag:$0x4] =	stream.indirect.gather [hbm4b:s1+s22], $0x80, s26, s22, $0xb8;
	[tilespmem:$0x1CB00] =	vst v63  }
0x39: {  	_ =	swait.ge [sflag:s31], $0x4000  }
0x3a: {  	[sflag:s31] =	ssyncset.done $0x0  }
0x3b: {  	[sflag:s31] =	ssyncadd.s32 $0xFFFFC000  }
0x3c: {  	[spmem:s2] =	stream.indirect.scatter.add.f32 [tilespmem:s25], [sflag:$0x5], $0x80, s22, s22, $0xb8;
	[tilespmem:$0x1CB00] =	vst v63  }
0x3d: {  	_ =	swait.ge [sflag:s23], $0x4000  }
0x3e: {  	[sflag:s23] =	ssyncset.done $0x0  }
0x3f: {  	[sflag:s23] =	ssyncadd.s32 $0xFFFFC000  }
0x40: {  	[tilespmem:s4], [sflag:$0x1] =	stream.linear.gather [hbm4b:s16+s4], $0x80, $0x38;
	[tilespmem:$0x1CB00] =	vst v63  }
0x41: {  	s11 =	simm.s32 $0x0  }
0x42: {  	[tilespmem:s22], [sflag:$0x1] =	stream.linear.gather [hbm4b:s17+s4], $0x80, $0x38;
	[tilespmem:$0x1CB00] =	vst v63  }
.LBB2_2:
0x43: {  	_ =	swait.ge [sflag:s24], $0x80  }
0x44: {  	[sflag:s24] =	ssyncset.done $0x0  }
0x45: {  	[sflag:s24] =	ssyncadd.s32 $0xFFFFFF80  }
0x46: {  	_ =	swait.ge [sflag:s24], $0x80  }
0x47: {  	[sflag:s24] =	ssyncset.done $0x0  }
0x48: {  	[sflag:s24] =	ssyncadd.s32 $0xFFFFFF80  }
0x49: {  	[tilespmem:s25], [sflag:$0x3] =	stream.indirect.gather [hbm4b:s1+s22], $0x80, s4, s22, $0xb8;
	[tilespmem:$0x1CB00] =	vst v63  }
0x4a: {  	_ =	swait.ge [sflag:s0], $0x4000  }
0x4b: {  	[sflag:s0] =	ssyncset.done $0x0  }
0x4c: {  	[sflag:s0] =	ssyncadd.s32 $0xFFFFC000  }
0x4d: {  	[spmem:s2] =	stream.indirect.scatter.add.f32 [tilespmem:s30], [sflag:$0x5], $0x80, s28, s22, $0xb8;
	[tilespmem:$0x1CB00] =	vst v63  }
0x4e: {  	_ =	swait.ge [sflag:s23], $0x4000  }
0x4f: {  	[sflag:s23] =	ssyncset.done $0x0  }
0x50: {  	s12 =	sadd.s32 s11, s21;
	[sflag:s23] =	ssyncadd.s32 $0xFFFFC000  }
0x51: {  	[tilespmem:s26], [sflag:$0x2] =	stream.linear.gather [hbm4b:s12+s4], $0x80, $0x38;
	[tilespmem:$0x1CB00] =	vst v63  }
0x52: {  	s14 =	sadd.s32 s11, s20  }
0x53: {  	[tilespmem:s28], [sflag:$0x2] =	stream.linear.gather [hbm4b:s14+s4], $0x80, $0x38;
	[tilespmem:$0x1CB00] =	vst v63  }
0x54: {  	_ =	swait.ge [sflag:s29], $0x80  }
0x55: {  	[sflag:s29] =	ssyncset.done $0x0  }
0x56: {  	[sflag:s29] =	ssyncadd.s32 $0xFFFFFF80  }
0x57: {  	_ =	swait.ge [sflag:s29], $0x80  }
0x58: {  	[sflag:s29] =	ssyncset.done $0x0  }
0x59: {  	[sflag:s29] =	ssyncadd.s32 $0xFFFFFF80  }
0x5a: {  	[tilespmem:s30], [sflag:$0x4] =	stream.indirect.gather [hbm4b:s1+s22], $0x80, s26, s22, $0xb8;
	[tilespmem:$0x1CB00] =	vst v63  }
0x5b: {  	_ =	swait.ge [sflag:s31], $0x4000  }
0x5c: {  	[sflag:s31] =	ssyncset.done $0x0  }
0x5d: {  	[sflag:s31] =	ssyncadd.s32 $0xFFFFC000  }
0x5e: {  	[spmem:s2] =	stream.indirect.scatter.add.f32 [tilespmem:s25], [sflag:$0x5], $0x80, s22, s22, $0xb8;
	[tilespmem:$0x1CB00] =	vst v63  }
0x5f: {  	_ =	swait.ge [sflag:s23], $0x4000  }
0x60: {  	p0 =	seq.s32 s11, $0x4A0;
	[sflag:s23] =	ssyncset.done $0x0  }
0x61: {  	s13 =	simm.s32 @!p0 $0x0;
	s12 =	sadd.s32 @!p0 s11, s19;
	[sflag:s23] =	ssyncadd.s32 $0xFFFFC000  }
0x62: {  	[tilespmem:s13], [sflag:$0x1] =	stream.linear.gather @!p0 [hbm4b:s12+s13], $0x80, $0x38;
	[tilespmem:$0x1CB00] =	vst v63  }
0x63: {  	s12 =	sadd.s32 @!p0 s11, s18;
	s11 =	sadd.s32 @!p0 $0x20, s11  }
0x64: {  	s14 =	simm.s32 @!p0 $0x80;
	p1 =	sne.s32 @!p0 s11, $0x4C0  }
0x65: {  	[tilespmem:s14], [sflag:$0x1] =	stream.linear.gather @!p0 [hbm4b:s12+s13], $0x80, $0x38;
	[tilespmem:$0x1CB00] =	vst v63  }
0x66: {  	p0 =	por p0, !p1  }
.Ltmp0:
0x67: {  	_ = 	snop;
	(pc) =	sbr.rel @!p0 .LBB2_2-.Ltmp0, $1  }
0x68: {  	_ =	sdelay $0x3  }
0x69: {  	s11 =	rddreg [dreg:$0x8]  }
0x6a: {  	[tilespmem:s3], [sflag:$0x1] =	stream.linear.gather [hbm4b:s11+s4], $0x10, $0x38;
	[tilespmem:$0x1CB00] =	vst v63  }
0x6b: {  	s12 =	rddreg [dreg:$0x9]  }
0x6c: {  	[tilespmem:s5], [sflag:$0x1] =	stream.linear.gather [hbm4b:s12+s4], $0x10, $0x38;
	[tilespmem:$0x1CB00] =	vst v63  }
0x6d: {  	_ =	swait.ge [sflag:s0], $0x4000  }
0x6e: {  	[sflag:s0] =	ssyncset.done $0x0  }
0x6f: {  	[sflag:s0] =	ssyncadd.s32 $0xFFFFC000  }
0x70: {  	[spmem:s2] =	stream.indirect.scatter.add.f32 [tilespmem:s30], [sflag:$0x5], $0x80, s28, s22, $0xb8;
	[tilespmem:$0x1CB00] =	vst v63  }
0x71: {  	_ =	swait.ge [sflag:s23], $0x4000  }
0x72: {  	[sflag:s23] =	ssyncset.done $0x0  }
0x73: {  	[sflag:s23] =	ssyncadd.s32 $0xFFFFC000  }
0x74: {  	_ =	swait.ge [sflag:s24], $0x10  }
0x75: {  	[sflag:s24] =	ssyncset.done $0x0  }
0x76: {  	[sflag:s24] =	ssyncadd.s32 $0xFFFFFFF0  }
0x77: {  	_ =	swait.ge [sflag:s24], $0x10  }
0x78: {  	[sflag:s24] =	ssyncset.done $0x0  }
0x79: {  	[sflag:s24] =	ssyncadd.s32 $0xFFFFFFF0  }
0x7a: {  	[tilespmem:s7], [sflag:$0x3] =	stream.indirect.gather [hbm4b:s1+s6], $0x80, s3, s6, $0xb8;
	[tilespmem:$0x1CB00] =	vst v63  }
0x7b: {  	_ =	swait.ge [sflag:s31], $0x800  }
0x7c: {  	[sflag:s31] =	ssyncset.done $0x0  }
0x7d: {  	[sflag:s31] =	ssyncadd.s32 $0xFFFFF800  }
0x7e: {  	[spmem:s2] =	stream.indirect.scatter.add.f32 [tilespmem:s7], [sflag:$0x5], $0x80, s5, s6, $0xb8;
	[tilespmem:$0x1CB00] =	vst v63  }
0x7f: {  	_ =	swait.ge [sflag:s23], $0x800  }
0x80: {  	[sflag:s23] =	ssyncset.done $0x0  }
0x81: {  	[sflag:s23] =	ssyncadd.s32 $0xFFFFF800  }
0x82: {  	[bflag:$0x0] =	sbarrier.arrive $0xFFFF  }
0x83: {  	s13 =	rddreg [dreg:$0xa]  }
0x84: {  	[hbm:s13], [sflag:s9] =	dma.local [spmem:s10], $0x2800  }
0x85: {  	_ =	swait.ge [sflag:s23], $0x2800  }
0x86: {  	s8 =	sadd.s32 $0x1, s8;
	s14 =	rddreg [dreg:$0xb]  }
0x87: {  	p0 =	sne.s32 s8, s14  }
.Ltmp1:
0x88: {  	_ = 	snop;
	(pc) =	sbr.rel @p0 .LBB2_1-.Ltmp1, $3  }
0x89: {  	_ =	sdelay $0x1  }
0x8a: {  	[sflag:s23] =	ssyncset.done $0x0  }
0x8b: {  	[sflag:s23] =	ssyncadd.s32 $0xFFFFD800  }
0x8c: {  	_ =	sfence.sel $0x180000  }
0x8d: {  	[bflag:$0x0] =	sbarrier.arrive $0xFFFF  }
0x8e: {  	_ =	strace $0x9000004D  }
0x8f: {  	s0 =	stileid.u32;
	[bflag:$0x2] =	sbarrier.arrive $0xFFFF  }
0x90: {  	p0 =	sne.s32 s0, $0x0;
	s0 =	rddreg [dreg:$0x3]  }
0x91: {  	s0 =	sadd.s32 @!p0 $0x100000, s0  }
0x92: {  	[sflag:s0] =	ssyncadd.tile.s32 @!p0 $0x1;
	_ =	shalt  }
.Lfunc_end2:
_tile_overlayer_lowered:
.L_overlay_start_2:
0x93: {  	(tag) =	ssettag $0x2  }
0x94: {  	s0 =	rddreg [dreg:$0x0];
	s2 =	stileid.u32  }
0x95: {  	s1 =	rddreg [dreg:$0x1];
	p0 =	sne.s32 s2, $0x0  }
0x96: {  	s3 =	rddreg [dreg:$0x2];
	[bflag:$0x3] =	sbarrier.arrive $0xFFFF;
	s2 =	simm.s32 @!p0 $0x1C05  }
0x97: {  	[timem:s3], [sflag:s2] =	dma.local @!p0 [hbm:s0], s1  }
0x98: {  	s0 =	simm.s32 @!p0 $0x5  }
0x99: {  	_ =	swait.ge @!p0 [sflag:s0], s1  }
0x9a: {  	s1 =	ssub.s32 @!p0 $0x0, s1;
	[sflag:s0] =	ssyncset.done @!p0 $0x0  }
0x9b: {  	[sflag:s0] =	ssyncadd.s32 @!p0 s1  }
0x9c: {  	[bflag:$0x3] =	sbarrier.arrive $0xFFFF  }
0x9d: {  	_ =	shalt  }

// kernel: kernel.19.cloned.1.call-start
scs
__scs_entry_jumppad:
0x0: {  	(pc) =	sbr.rel $0x88, $3  }
0x1: {  	(tag) =	ssettag $0x0;
	lr =	simm.s32 $0x1  }
0x2: {  	[smem:$0x3F93] =	sst lr;
	_ =	strace $0xD0000000  }
0x3: {  	_ = 	snop  }
0x4: {  	_ = 	snop  }
0x5: {  	_ = 	snop  }
0x6: {  	_ = 	snop  }
0x7: {  	_ = 	snop  }
__scs_overlays_trampoline_lowered:
0x8: {  	[smem:$0x3FA2] =	sst s0  }
0x9: {  	[smem:$0x3FA3] =	sst s1  }
0xa: {  	[smem:$0x3FA4] =	sst s2  }
0xb: {  	[smem:$0x3FA5] =	sst s3  }
0xc: {  	[smem:$0x3FA6] =	sst s4  }
0xd: {  	[smem:$0x3FA7] =	sst s5  }
0xe: {  	[smem:$0x3FA8] =	sst s6  }
0xf: {  	[smem:$0x3FA9] =	sst s7  }
0x10: {  	[smem:$0x3FAA] =	sst s8  }
0x11: {  	[smem:$0x3FAB] =	sst s9;
	s0 =	simm.s32 @!p0 $0x0  }
0x12: {  	s1 =	sld [smem:$0x3F91];
	s0 =	simm.s32 @p0 $0x1  }
0x13: {  	[smem:$0x3FAC] =	sst s0;
	s0 =	simm.s32 @!p1 $0x0  }
0x14: {  	s2 =	sld [smem:$0x3F90];
	s0 =	simm.s32 @p1 $0x1  }
0x15: {  	[smem:$0x3FAD] =	sst s0;
	s0 =	simm.s32 @!p2 $0x0  }
0x16: {  	s3 =	sld [smem:$0x3FDB];
	s0 =	simm.s32 @p2 $0x1  }
0x17: {  	s4 =	simm.s32 $0x1BF5;
	[smem:$0x3FAF] =	sst s0  }
0x18: {  	s0 =	sld [smem:$0x3F92];
	_ =	swait.ge [sflag:s4], $0x0  }
0x19: {  	s7 =	sld [smem:$0x3F93]  }
0x1a: {  	s8 =	sadd.s32 $0xFFFFE003, lr  }
0x1b: {  	s9 =	sadd.s32 $0xFFFFFEF7, lr;
	s5 =	simm.s32 $0xFFFFFFFF;
	p2 =	slt.u32 s8, $0xFFFFF086  }
0x1c: {  	p1 =	slt.u32 s9, $0xF7A;
	s5 =	simm.s32 @!p2 $0x0  }
0x1d: {  	s5 =	simm.s32 @p1 $0x1;
	p0 =	seq.s32 s7, s2  }
0x1e: {  	s7 =	smul.u32 @!p0 $0xF7A, s2;
	p2 =	seq.s32 @!p0 s5, $0x0  }
0x1f: {  	s9 =	smul.u32 $0xF7A, s1;
	s8 =	simm.s32 @!p0 $0x1BF5;
	p2 =	por !p2, p0  }
0x20: {  	[sflag:s8] =	ssyncset.s32 @!p0 $0xFFFFF086;
	s6 =	sadd.s32 @!p0 s3, s7;
	s7 =	simm.s32 @!p0 $0x108  }
0x21: {  	s3 =	sadd.s32 s3, s9;
	s6 =	sadd.s32 @!p0 $0x88, s6;
	s7 =	simm.s32 @p2 $0x1082  }
0x22: {  	[simem:s7], [sflag:s8] =	dma.local @!p0 [hbm:s6], $0xF7A  }
0x23: {  	s9 =	sor.u32 $0xD0000000, s2;
	s6 =	simm.s32 $0x108;
	_ =	swait.ge @!p0 [sflag:s8], $0x0  }
0x24: {  	s3 =	sadd.s32 $0x88, s3;
	s6 =	simm.s32 @!p1 $0x1082;
	[sflag:s4] =	ssyncset.s32 $0xFFFFF086  }
0x25: {  	[simem:s6], [sflag:s4] =	dma.local [hbm:s3], $0xF7A  }
0x26: {  	[smem:$0x3F93] =	sst s1;
	(tag) =	ssettag s2;
	_ =	strace s9  }
0x27: {  	s1 =	sld [smem:$0x3FA3]  }
0x28: {  	s2 =	sld [smem:$0x3FA4]  }
0x29: {  	s4 =	sld [smem:$0x3FA6]  }
0x2a: {  	p0 =	seq.s32 s5, $0x0;
	s5 =	sld [smem:$0x3FA7]  }
0x2b: {  	s6 =	sld [smem:$0x3FA8]  }
0x2c: {  	s7 =	sld [smem:$0x3FA9]  }
0x2d: {  	s3 =	simm.s32 $0x108;
	s8 =	sld [smem:$0x3FAA]  }
0x2e: {  	s3 =	simm.s32 @!p0 $0x1082;
	s9 =	sld [smem:$0x3FAB]  }
0x2f: {  	lr =	sadd.s32 s0, s3;
	s0 =	sld [smem:$0x3FA2]  }
0x30: {  	s3 =	sld [smem:$0x3FA5]  }
0x31: {  	[smem:$0x3FAE] =	sst s10  }
0x32: {  	s10 =	sld [smem:$0x3FAC];
	_ =	sdelay $0x3  }
0x33: {  	p0 =	seq.s32 s10, $0x1;
	s10 =	sld [smem:$0x3FAE];
	_ =	sdelay $0x3  }
0x34: {  	[smem:$0x3FAE] =	sst s10  }
0x35: {  	s10 =	sld [smem:$0x3FAD];
	_ =	sdelay $0x3  }
0x36: {  	p1 =	seq.s32 s10, $0x1;
	s10 =	sld [smem:$0x3FAE];
	_ =	sdelay $0x3  }
0x37: {  	[smem:$0x3FAE] =	sst s10  }
0x38: {  	s10 =	sld [smem:$0x3FAF]  }
0x39: {  	_ = 	snop;
	(pc) =	sbr.ind lr, $3  }
0x3a: {  	_ = 	snop  }
0x3b: {  	_ = 	snop  }
0x3c: {  	p2 =	seq.s32 s10, $0x1;
	s10 =	sld [smem:$0x3FAE]  }
0x3d: {  	_ =	shalt  }
0x3e: {  	_ =	shalt  }
0x3f: {  	_ =	shalt  }
0x40: {  	_ =	shalt  }
0x41: {  	_ =	shalt  }
0x42: {  	_ =	shalt  }
0x43: {  	_ =	shalt  }
0x44: {  	_ =	shalt  }
0x45: {  	_ =	shalt  }
0x46: {  	_ =	shalt  }
0x47: {  	_ =	shalt  }
0x48: {  	_ =	shalt  }
0x49: {  	_ =	shalt  }
0x4a: {  	_ =	shalt  }
0x4b: {  	_ =	shalt  }
0x4c: {  	_ =	shalt  }
0x4d: {  	_ =	shalt  }
0x4e: {  	_ =	shalt  }
0x4f: {  	_ =	shalt  }
0x50: {  	_ =	shalt  }
0x51: {  	_ =	shalt  }
0x52: {  	_ =	shalt  }
0x53: {  	_ =	shalt  }
0x54: {  	_ =	shalt  }
0x55: {  	_ =	shalt  }
0x56: {  	_ =	shalt  }
0x57: {  	_ =	shalt  }
0x58: {  	_ =	shalt  }
0x59: {  	_ =	shalt  }
0x5a: {  	_ =	shalt  }
0x5b: {  	_ =	shalt  }
0x5c: {  	_ =	shalt  }
0x5d: {  	_ =	shalt  }
0x5e: {  	_ =	shalt  }
0x5f: {  	_ =	shalt  }
0x60: {  	_ =	shalt  }
0x61: {  	_ =	shalt  }
0x62: {  	_ =	shalt  }
0x63: {  	_ =	shalt  }
0x64: {  	_ =	shalt  }
0x65: {  	_ =	shalt  }
0x66: {  	_ =	shalt  }
0x67: {  	_ =	shalt  }
0x68: {  	_ =	shalt  }
0x69: {  	_ =	shalt  }
0x6a: {  	_ =	shalt  }
0x6b: {  	_ =	shalt  }
0x6c: {  	_ =	shalt  }
0x6d: {  	_ =	shalt  }
0x6e: {  	_ =	shalt  }
0x6f: {  	_ =	shalt  }
0x70: {  	_ =	shalt  }
0x71: {  	_ =	shalt  }
0x72: {  	_ =	shalt  }
0x73: {  	_ =	shalt  }
0x74: {  	_ =	shalt  }
0x75: {  	_ =	shalt  }
0x76: {  	_ =	shalt  }
0x77: {  	_ =	shalt  }
0x78: {  	_ =	shalt  }
0x79: {  	_ =	shalt  }
0x7a: {  	_ =	shalt  }
0x7b: {  	_ =	shalt  }
0x7c: {  	_ =	shalt  }
0x7d: {  	_ =	shalt  }
0x7e: {  	_ =	shalt  }
0x7f: {  	_ =	shalt  }
0x80: {  	_ =	shalt  }
0x81: {  	_ =	shalt  }
0x82: {  	_ =	shalt  }
0x83: {  	_ =	shalt  }
0x84: {  	_ =	shalt  }
0x85: {  	_ =	shalt  }
0x86: {  	_ =	shalt  }
0x87: {  	_ =	shalt  }
.Lfunc_end0:
.L_simem_size_0:
called_computation.3_lowered:
.L_overlay_start_0:
0x88: {  	s2 =	sld [smem:$0x3FD9]  }
0x89: {  	s3 =	sld [smem:$0x3FFE];
	_ =	sdelay $0x1  }
0x8a: {  	s1 =	srdreg.scid  }
0x8b: {  	s0 =	sand.u32 $0x1, s1  }
0x8c: {  	s17 =	sshll.u32 s0, $0xA;
	s2 =	sadd.s32 s3, s2  }
0x8d: {  	s2 =	sadd.s32 s2, s17  }
0x8e: {  	[smem:$0x3FBA] =	sst s2  }
0x8f: {  	_ = 	snop  }
0x90: {  	s2 =	sld [smem:$0x3FD0];
	(tm) =	ssettm $0x1  }
0x91: {  	s18 =	sld [smem:$0x3FFB];
	_ =	sdelay $0x3  }
0x92: {  	_ =	strace s18  }
0x93: {  	s3 =	sld [smem:$0x3FFC];
	_ =	sdelay $0x3  }
0x94: {  	_ =	strace s3  }
0x95: {  	s3 =	sld [smem:$0x3FFD];
	_ =	sdelay $0x3  }
0x96: {  	_ =	strace s3  }
0x97: {  	_ =	strace $0x8FFFFFFF  }
0x98: {  	s19 =	sld [smem:$0x3FDB];
	_ =	sdelay $0x1  }
0x99: {  	s4 =	simm.s32 $_scs_section_size  }
0x9a: {  	s5 =	simm.s32 $_size__tile_overlayer_lowered;
	s6 =	simm.s32 $_tile_overlayer_lowered  }
0x9b: {  	s22 =	simm.s32 $0x1BFF;
	s21 =	sshll.u32 s6, $0x1;
	s3 =	sadd.s32 s4, s19  }
0x9c: {  	s7 =	simm.s32 $0x0;
	s20 =	sshll.u32 s5, $0x1;
	s5 =	sadd.s32 s21, s3  }
0x9d: {  	[timem:s7], [sflag:s22] =	dma.local [hbm:s5], s20  }
0x9e: {  	_ =	swait.ge [sflag:s22], s20  }
0x9f: {  	s4 =	ssub.s32 $0x0, s20;
	[sflag:s22] =	ssyncset.done $0x0  }
0xa0: {  	[sflag:s22] =	ssyncadd.s32 s4;
	_ =	sdelay $0x1  }
0xa1: {  	s23 =	simm.s32 $0x1B8B  }
0xa2: {  	_ =	swait.ge [sflag:s23], $0x1  }
0xa3: {  	[sflag:s23] =	ssyncset.done $0x0  }
0xa4: {  	s25 =	simm.s32 $0x1B8E;
	s24 =	sld [smem:$0x3FFE];
	[sflag:s23] =	ssyncadd.s32 $0xFFFFFFFF  }
0xa5: {  	s26 =	simm.s32 $execute0_lowered;
	[smem:$0x3FD2] =	sst s25  }
0xa6: {  	s5 =	sshll.u32 s26, $0x1;
	_ =	strace $0x8000004F;
	[dreg:$0x1] =	wrdreg $0xFFFFFFFF  }
0xa7: {  	s28 =	simm.s32 $_size_execute0_lowered;
	s3 =	sadd.s32 s3, s5;
	[dreg:$0x0] =	wrdreg $0x0  }
0xa8: {  	s5 =	sshll.u32 s28, $0x1;
	[dreg:$0x2] =	wrdreg s3  }
0xa9: {  	[dreg:$0x3] =	wrdreg s5  }
0xaa: {  	[dreg:$0x4] =	wrdreg $0xC0  }
0xab: {  	_ =	task [dreg:s7], $0x5FFFF  }
0xac: {  	[dreg:$0x1] =	wrdreg $0xFFFFFFFF  }
0xad: {  	[dreg:$0x0] =	wrdreg $0x60  }
0xae: {  	[dreg:$0x2] =	wrdreg s2  }
0xaf: {  	[dreg:$0x3] =	wrdreg s24  }
0xb0: {  	[dreg:$0x4] =	wrdreg $0x8B000  }
0xb1: {  	[dreg:$0x5] =	wrdreg $0x9  }
0xb2: {  	_ =	task.clear_ibuf [dreg:s7], $0x6FFFF;
	_ =	strace $0x9000004F  }
0xb3: {  	s29 =	simm.s32 $0x9;
	_ =	strace $0x80000051  }
0xb4: {  	_ =	swait.ge [sflag:s29], $0x1  }
0xb5: {  	[sflag:s29] =	ssyncadd.s32 $0xFFFFFFFF  }
0xb6: {  	_ =	strace $0x90000051  }
0xb7: {  	_ =	sfence  }
0xb8: {  	s30 =	sld [smem:$0x0];
	_ =	sdelay $0x2  }
0xb9: {  	s31 =	sshll.u32 s1, $0xD;
	s1 =	sshrl.u32 s1, $0x2  }
0xba: {  	s3 =	sand.u32 $0x4000, s31;
	s1 =	sadd.s32 s1, s30  }
0xbb: {  	s0 =	sor.u32 s3, s0;
	s1 =	sshll.u32 s1, $0x11  }
0xbc: {  	s0 =	sor.u32 s1, s0  }
0xbd: {  	s0 =	sadd.s32 $0x8F2B, s0  }
0xbe: {  	[sflag:s0] =	ssyncadd.remote.s32 $0x1  }
0xbf: {  	_ =	sfence.sel $0xFFFF  }
0xc0: {  	[dreg:$0x0] =	wrdreg $0xFFFFFFFF;
	(pc) =	sbr.abs _section_cstart, $3  }
0xc1: {  	[dreg:$0x1] =	wrdreg $0xFFFFFFFF  }
0xc2: {  	_ =	task.clear_ibuf [dreg:s7], $0x2FFFF;
	_ =	strace $0x9FFFFFFF  }
0xc3: {  	(tm) =	ssettm $0x7FFFFFFF  }
tec
execute0_lowered:
.L_overlay_start_1:
0x0: {  	(tag) =	ssettag $0x1  }
0x1: {  	s1 =	rddreg [dreg:$0x0]  }
0x2: {  	s0 =	rddreg [dreg:$0x1]  }
0x3: {  	s2 =	rddreg [dreg:$0x2];
	s3 =	srdreg.scid;
	s4 =	simm.s32 $0x0  }
0x4: {  	s12 =	stileid.u32;
	s28 =	simm.s32 $0x180;
	s29 =	simm.s32 $0x2  }
0x5: {  	s30 =	simm.s32 $0x4300;
	s31 =	simm.s32 $0x3;
	s3 =	sand.u32 $0x1, s3  }
0x6: {  	[smem:$0x7FF] =	sst s4;
	s6 =	smul.u32 $0x14000, s12;
	s7 =	sshll.u32 s12, $0x1  }
0x7: {  	s8 =	sadd.s32 $0x3800, s0;
	s10 =	sadd.s32 $0xD600, s0;
	s9 =	smul.u32 $0x50000, s12  }
0x8: {  	s11 =	sadd.s32 $0x17400, s0;
	s18 =	sshll.u32 s12, $0x6;
	s5 =	smul.u32 $0x140000, s3  }
0x9: {  	s7 =	sor.u32 s3, s7;
	s13 =	ssub.s32 $0x2, s3;
	s3 =	smul.u32 $0x2710, s3  }
0xa: {  	_ =	strace $0x80000050;
	[dreg:$0x4] =	wrdreg s11;
	s26 =	smul.u32 $0x2710, s7  }
0xb: {  	s14 =	sshrl.u32 s13, $0x1;
	s15 =	sshrl.u32 s9, $0x2;
	s9 =	sor.u32 $0x1C05, s18  }
0xc: {  	s5 =	sadd.s32 s6, s5;
	s7 =	sadd.s32 s15, s2;
	s15 =	smul.u32 $0x4E20, s12  }
0xd: {  	s5 =	sshrl.u32 s5, $0x3;
	s6 =	sshrl.u32 s26, $0x3;
	[dreg:$0x7] =	wrdreg s7  }
0xe: {  	s7 =	simm.s32 $0x8300;
	s0 =	sadd.s32 s5, s0;
	s5 =	ssub.s32 s13, s14  }
0xf: {  	s16 =	sadd.s32 s8, s6;
	s17 =	sadd.s32 s10, s6;
	s19 =	sadd.s32 $0x4E0, s6  }
0x10: {  	s22 =	sadd.s32 $0x10, s6;
	s3 =	sadd.s32 s3, s15;
	[dreg:$0x5] =	wrdreg s16  }
0x11: {  	s24 =	sadd.s32 $0x20, s6;
	s6 =	simm.s32 $0x10;
	[dreg:$0x6] =	wrdreg s17  }
0x12: {  	s20 =	sadd.s32 s8, s19;
	s21 =	sadd.s32 s10, s19;
	s0 =	sadd.s32 $0x19C00, s0  }
0x13: {  	s5 =	smax.u32 s5, $0x1;
	s23 =	sadd.s32 s8, s22;
	[dreg:$0x8] =	wrdreg s20  }
0x14: {  	s15 =	sadd.s32 s10, s22;
	s25 =	sadd.s32 $0x200, s3;
	[dreg:$0x9] =	wrdreg s21  }
0x15: {  	s16 =	sadd.s32 s8, s24;
	s3 =	sadd.s32 $0x180, s3;
	[dreg:$0xa] =	wrdreg s0  }
0x16: {  	s17 =	sadd.s32 s10, s24;
	s22 =	simm.s32 $0x80;
	[dreg:$0xb] =	wrdreg s5  }
0x17: {  	s24 =	simm.s32 $0x1;
	[dreg:$0xc] =	wrdreg s23;
	s5 =	sshrl.u32 s25, $0x3  }
0x18: {  	s26 =	sshrl.u32 s3, $0x3;
	s23 =	simm.s32 $0x5;
	s25 =	simm.s32 $0x300  }
0x19: {  	s0 =	simm.s32 $0x4;
	s3 =	simm.s32 $0x200;
	s18 =	sadd.s32 s5, s10  }
0x1a: {  	s19 =	sadd.s32 s5, s8;
	s20 =	sadd.s32 s26, s10;
	s21 =	sadd.s32 s26, s8  }
0x1b: {  	s26 =	simm.s32 $0x100;
	s5 =	simm.s32 $0x280;
	s8 =	simm.s32 $0x0  }
.LBB2_1:
0x1c: {  	s10 =	rddreg [dreg:$0x5]  }
0x1d: {  	s12 =	rddreg [dreg:$0x6]  }
0x1e: {  	s13 =	rddreg [dreg:$0x7]  }
0x1f: {  	[tilespmem:s4], [sflag:$0x1] =	stream.linear.gather [hbm4b:s10+s4], $0x80, $0x38;
	[tilespmem:$0x1CB00] =	vst v63  }
0x20: {  	s11 =	rddreg [dreg:$0x4];
	s10 =	sshrl.u32 s13, $0x3  }
0x21: {  	[tilespmem:s22], [sflag:$0x1] =	stream.linear.gather [hbm4b:s12+s4], $0x80, $0x38;
	[tilespmem:$0x1CB00] =	vst v63  }
0x22: {  	[spmem:s10], [sflag:s9] =	dma.local [hbm:s11], $0x2800  }
0x23: {  	_ =	swait.ge [sflag:s23], $0x2800  }
0x24: {  	[sflag:s23] =	ssyncset.done $0x0  }
0x25: {  	[sflag:s23] =	ssyncadd.s32 $0xFFFFD800  }
0x26: {  	[bflag:$0x0] =	sbarrier.arrive $0xFFFF  }
0x27: {  	_ =	swait.ge [sflag:s24], $0x80  }
0x28: {  	[sflag:s24] =	ssyncset.done $0x0  }
0x29: {  	[sflag:s24] =	ssyncadd.s32 $0xFFFFFF80  }
0x2a: {  	_ =	swait.ge [sflag:s24], $0x80  }
0x2b: {  	[sflag:s24] =	ssyncset.done $0x0  }
0x2c: {  	[sflag:s24] =	ssyncadd.s32 $0xFFFFFF80  }
0x2d: {  	[tilespmem:s25], [sflag:$0x3] =	stream.indirect.gather [hbm4b:s1+s22], $0x80, s4, s22, $0xb8;
	[tilespmem:$0x1CB00] =	vst v63  }
0x2e: {  	s14 =	rddreg [dreg:$0xc]  }
0x2f: {  	[tilespmem:s26], [sflag:$0x2] =	stream.linear.gather [hbm4b:s14+s4], $0x80, $0x38;
	[tilespmem:$0x1CB00] =	vst v63  }
0x30: {  	_ = 	snop  }
0x31: {  	[tilespmem:s28], [sflag:$0x2] =	stream.linear.gather [hbm4b:s15+s4], $0x80, $0x38;
	[tilespmem:$0x1CB00] =	vst v63  }
0x32: {  	_ =	swait.ge [sflag:s29], $0x80  }
0x33: {  	[sflag:s29] =	ssyncset.done $0x0  }
0x34: {  	[sflag:s29] =	ssyncadd.s32 $0xFFFFFF80  }
0x35: {  	_ =	swait.ge [sflag:s29], $0x80  }
0x36: {  	[sflag:s29] =	ssyncset.done $0x0  }
0x37: {  	[sflag:s29] =	ssyncadd.s32 $0xFFFFFF80  }
0x38: {  	[tilespmem:s30], [sflag:$0x4] =	stream.indirect.gather [hbm4b:s1+s22], $0x80, s26, s22, $0xb8;
	[tilespmem:$0x1CB00] =	vst v63  }
0x39: {  	_ =	swait.ge [sflag:s31], $0x4000  }
0x3a: {  	[sflag:s31] =	ssyncset.done $0x0  }
0x3b: {  	[sflag:s31] =	ssyncadd.s32 $0xFFFFC000  }
0x3c: {  	[spmem:s2] =	stream.indirect.scatter.add.f32 [tilespmem:s25], [sflag:$0x5], $0x80, s22, s22, $0xb8;
	[tilespmem:$0x1CB00] =	vst v63  }
0x3d: {  	_ =	swait.ge [sflag:s23], $0x4000  }
0x3e: {  	[sflag:s23] =	ssyncset.done $0x0  }
0x3f: {  	[sflag:s23] =	ssyncadd.s32 $0xFFFFC000  }
0x40: {  	[tilespmem:s4], [sflag:$0x1] =	stream.linear.gather [hbm4b:s16+s4], $0x80, $0x38;
	[tilespmem:$0x1CB00] =	vst v63  }
0x41: {  	s11 =	simm.s32 $0x0  }
0x42: {  	[tilespmem:s22], [sflag:$0x1] =	stream.linear.gather [hbm4b:s17+s4], $0x80, $0x38;
	[tilespmem:$0x1CB00] =	vst v63  }
.LBB2_2:
0x43: {  	_ =	swait.ge [sflag:s24], $0x80  }
0x44: {  	[sflag:s24] =	ssyncset.done $0x0  }
0x45: {  	[sflag:s24] =	ssyncadd.s32 $0xFFFFFF80  }
0x46: {  	_ =	swait.ge [sflag:s24], $0x80  }
0x47: {  	[sflag:s24] =	ssyncset.done $0x0  }
0x48: {  	[sflag:s24] =	ssyncadd.s32 $0xFFFFFF80  }
0x49: {  	[tilespmem:s25], [sflag:$0x3] =	stream.indirect.gather [hbm4b:s1+s22], $0x80, s4, s22, $0xb8;
	[tilespmem:$0x1CB00] =	vst v63  }
0x4a: {  	_ =	swait.ge [sflag:s0], $0x4000  }
0x4b: {  	[sflag:s0] =	ssyncset.done $0x0  }
0x4c: {  	[sflag:s0] =	ssyncadd.s32 $0xFFFFC000  }
0x4d: {  	[spmem:s2] =	stream.indirect.scatter.add.f32 [tilespmem:s30], [sflag:$0x5], $0x80, s28, s22, $0xb8;
	[tilespmem:$0x1CB00] =	vst v63  }
0x4e: {  	_ =	swait.ge [sflag:s23], $0x4000  }
0x4f: {  	[sflag:s23] =	ssyncset.done $0x0  }
0x50: {  	s12 =	sadd.s32 s11, s21;
	[sflag:s23] =	ssyncadd.s32 $0xFFFFC000  }
0x51: {  	[tilespmem:s26], [sflag:$0x2] =	stream.linear.gather [hbm4b:s12+s4], $0x80, $0x38;
	[tilespmem:$0x1CB00] =	vst v63  }
0x52: {  	s14 =	sadd.s32 s11, s20  }
0x53: {  	[tilespmem:s28], [sflag:$0x2] =	stream.linear.gather [hbm4b:s14+s4], $0x80, $0x38;
	[tilespmem:$0x1CB00] =	vst v63  }
0x54: {  	_ =	swait.ge [sflag:s29], $0x80  }
0x55: {  	[sflag:s29] =	ssyncset.done $0x0  }
0x56: {  	[sflag:s29] =	ssyncadd.s32 $0xFFFFFF80  }
0x57: {  	_ =	swait.ge [sflag:s29], $0x80  }
0x58: {  	[sflag:s29] =	ssyncset.done $0x0  }
0x59: {  	[sflag:s29] =	ssyncadd.s32 $0xFFFFFF80  }
0x5a: {  	[tilespmem:s30], [sflag:$0x4] =	stream.indirect.gather [hbm4b:s1+s22], $0x80, s26, s22, $0xb8;
	[tilespmem:$0x1CB00] =	vst v63  }
0x5b: {  	_ =	swait.ge [sflag:s31], $0x4000  }
0x5c: {  	[sflag:s31] =	ssyncset.done $0x0  }
0x5d: {  	[sflag:s31] =	ssyncadd.s32 $0xFFFFC000  }
0x5e: {  	[spmem:s2] =	stream.indirect.scatter.add.f32 [tilespmem:s25], [sflag:$0x5], $0x80, s22, s22, $0xb8;
	[tilespmem:$0x1CB00] =	vst v63  }
0x5f: {  	_ =	swait.ge [sflag:s23], $0x4000  }
0x60: {  	p0 =	seq.s32 s11, $0x4A0;
	[sflag:s23] =	ssyncset.done $0x0  }
0x61: {  	s13 =	simm.s32 @!p0 $0x0;
	s12 =	sadd.s32 @!p0 s11, s19;
	[sflag:s23] =	ssyncadd.s32 $0xFFFFC000  }
0x62: {  	[tilespmem:s13], [sflag:$0x1] =	stream.linear.gather @!p0 [hbm4b:s12+s13], $0x80, $0x38;
	[tilespmem:$0x1CB00] =	vst v63  }
0x63: {  	s12 =	sadd.s32 @!p0 s11, s18;
	s11 =	sadd.s32 @!p0 $0x20, s11  }
0x64: {  	s14 =	simm.s32 @!p0 $0x80;
	p1 =	sne.s32 @!p0 s11, $0x4C0  }
0x65: {  	[tilespmem:s14], [sflag:$0x1] =	stream.linear.gather @!p0 [hbm4b:s12+s13], $0x80, $0x38;
	[tilespmem:$0x1CB00] =	vst v63  }
0x66: {  	p0 =	por p0, !p1  }
.Ltmp0:
0x67: {  	_ = 	snop;
	(pc) =	sbr.rel @!p0 .LBB2_2-.Ltmp0, $1  }
0x68: {  	_ =	sdelay $0x3  }
0x69: {  	s11 =	rddreg [dreg:$0x8]  }
0x6a: {  	[tilespmem:s3], [sflag:$0x1] =	stream.linear.gather [hbm4b:s11+s4], $0x10, $0x38;
	[tilespmem:$0x1CB00] =	vst v63  }
0x6b: {  	s12 =	rddreg [dreg:$0x9]  }
0x6c: {  	[tilespmem:s5], [sflag:$0x1] =	stream.linear.gather [hbm4b:s12+s4], $0x10, $0x38;
	[tilespmem:$0x1CB00] =	vst v63  }
0x6d: {  	_ =	swait.ge [sflag:s0], $0x4000  }
0x6e: {  	[sflag:s0] =	ssyncset.done $0x0  }
0x6f: {  	[sflag:s0] =	ssyncadd.s32 $0xFFFFC000  }
0x70: {  	[spmem:s2] =	stream.indirect.scatter.add.f32 [tilespmem:s30], [sflag:$0x5], $0x80, s28, s22, $0xb8;
	[tilespmem:$0x1CB00] =	vst v63  }
0x71: {  	_ =	swait.ge [sflag:s23], $0x4000  }
0x72: {  	[sflag:s23] =	ssyncset.done $0x0  }
0x73: {  	[sflag:s23] =	ssyncadd.s32 $0xFFFFC000  }
0x74: {  	_ =	swait.ge [sflag:s24], $0x10  }
0x75: {  	[sflag:s24] =	ssyncset.done $0x0  }
0x76: {  	[sflag:s24] =	ssyncadd.s32 $0xFFFFFFF0  }
0x77: {  	_ =	swait.ge [sflag:s24], $0x10  }
0x78: {  	[sflag:s24] =	ssyncset.done $0x0  }
0x79: {  	[sflag:s24] =	ssyncadd.s32 $0xFFFFFFF0  }
0x7a: {  	[tilespmem:s7], [sflag:$0x3] =	stream.indirect.gather [hbm4b:s1+s6], $0x80, s3, s6, $0xb8;
	[tilespmem:$0x1CB00] =	vst v63  }
0x7b: {  	_ =	swait.ge [sflag:s31], $0x800  }
0x7c: {  	[sflag:s31] =	ssyncset.done $0x0  }
0x7d: {  	[sflag:s31] =	ssyncadd.s32 $0xFFFFF800  }
0x7e: {  	[spmem:s2] =	stream.indirect.scatter.add.f32 [tilespmem:s7], [sflag:$0x5], $0x80, s5, s6, $0xb8;
	[tilespmem:$0x1CB00] =	vst v63  }
0x7f: {  	_ =	swait.ge [sflag:s23], $0x800  }
0x80: {  	[sflag:s23] =	ssyncset.done $0x0  }
0x81: {  	[sflag:s23] =	ssyncadd.s32 $0xFFFFF800  }
0x82: {  	[bflag:$0x0] =	sbarrier.arrive $0xFFFF  }
0x83: {  	s13 =	rddreg [dreg:$0xa]  }
0x84: {  	[hbm:s13], [sflag:s9] =	dma.local [spmem:s10], $0x2800  }
0x85: {  	_ =	swait.ge [sflag:s23], $0x2800  }
0x86: {  	s8 =	sadd.s32 $0x1, s8;
	s14 =	rddreg [dreg:$0xb]  }
0x87: {  	p0 =	sne.s32 s8, s14  }
.Ltmp1:
0x88: {  	_ = 	snop;
	(pc) =	sbr.rel @p0 .LBB2_1-.Ltmp1, $3  }
0x89: {  	_ =	sdelay $0x1  }
0x8a: {  	[sflag:s23] =	ssyncset.done $0x0  }
0x8b: {  	[sflag:s23] =	ssyncadd.s32 $0xFFFFD800  }
0x8c: {  	_ =	sfence.sel $0x180000  }
0x8d: {  	[bflag:$0x0] =	sbarrier.arrive $0xFFFF  }
0x8e: {  	_ =	strace $0x90000050  }
0x8f: {  	s0 =	stileid.u32;
	[bflag:$0x2] =	sbarrier.arrive $0xFFFF  }
0x90: {  	p0 =	sne.s32 s0, $0x0;
	s0 =	rddreg [dreg:$0x3]  }
0x91: {  	s0 =	sadd.s32 @!p0 $0x100000, s0  }
0x92: {  	[sflag:s0] =	ssyncadd.tile.s32 @!p0 $0x1;
	_ =	shalt  }
.Lfunc_end2:
_tile_overlayer_lowered:
.L_overlay_start_2:
0x93: {  	(tag) =	ssettag $0x2  }
0x94: {  	s0 =	rddreg [dreg:$0x0];
	s2 =	stileid.u32  }
0x95: {  	s1 =	rddreg [dreg:$0x1];
	p0 =	sne.s32 s2, $0x0  }
0x96: {  	s3 =	rddreg [dreg:$0x2];
	[bflag:$0x3] =	sbarrier.arrive $0xFFFF;
	s2 =	simm.s32 @!p0 $0x1C05  }
0x97: {  	[timem:s3], [sflag:s2] =	dma.local @!p0 [hbm:s0], s1  }
0x98: {  	s0 =	simm.s32 @!p0 $0x5  }
0x99: {  	_ =	swait.ge @!p0 [sflag:s0], s1  }
0x9a: {  	s1 =	ssub.s32 @!p0 $0x0, s1;
	[sflag:s0] =	ssyncset.done @!p0 $0x0  }
0x9b: {  	[sflag:s0] =	ssyncadd.s32 @!p0 s1  }
0x9c: {  	[bflag:$0x3] =	sbarrier.arrive $0xFFFF  }
0x9d: {  	_ =	shalt  }

</sc_bundles>
